<compile_context>
chip_gen: v7x
topology: tpu7x:2x2x1
jax: 0.10.2.dev20260603
libtpu: 0.0.44.dev20260713+nightly
codegen_flags: <defaults>
</compile_context>

<pallas_src>
import functools

import jax
import jax.numpy as jnp
from jax import lax
from jax.experimental import pallas as pl
from jax.experimental.pallas import tpu as pltpu
from jax.experimental.pallas import tpu_sc as plsc

_NC = 2
_NS = 16
_NW = _NC * _NS
_L = 16


@functools.lru_cache(maxsize=None)
def _build(B0, S, V, D):
  bw = B0 // _NW
  NB = bw // _L

  mesh = plsc.VectorSubcoreMesh(core_axis_name="c", subcore_axis_name="s")

  @functools.partial(
      pl.kernel,
      mesh=mesh,
      out_type=jax.ShapeDtypeStruct((S, D, B0), jnp.float32),
      compiler_params=pltpu.CompilerParams(
          use_tc_tiling_on_sc=False, needs_layout_passes=False),
      scratch_types=[
          pltpu.VMEM((bw * S,), jnp.int32),
          pltpu.VMEM((bw,), jnp.int32),
          pltpu.VMEM((bw,), jnp.int32),
          pltpu.VMEM((2 * bw, D), jnp.float32),
          pltpu.VMEM((2 * D, bw), jnp.float32),
          pltpu.SemaphoreType.DMA,
          pltpu.SemaphoreType.DMA,
          pltpu.SemaphoreType.DMA,
          pltpu.SemaphoreType.DMA,
      ],
  )
  def k(xf_hbm, table_hbm, out_hbm, xslab, idx0, idx1, gbuf, obuf,
        gsem0, gsem1, wsem0, wsem1):
    w = lax.axis_index("s") * _NC + lax.axis_index("c")
    b0 = w * bw
    lanes = lax.iota(jnp.int32, _L)

    pltpu.sync_copy(xf_hbm.at[pl.ds(b0 * S, bw * S)], xslab)

    def start_gather(s):
      par = lax.rem(s, 2)

      @pl.when(par == 0)
      def _():
        @plsc.parallel_loop(0, bw // _L)
        def _x0(l):
          col = plsc.load_gather(
              xslab, [(l * _L + lanes) * S + s])
          plsc.store_scatter(idx0, [l * _L + lanes], col)

        pltpu.async_copy(table_hbm.at[idx0], gbuf.at[pl.ds(0, bw)], gsem0)

      @pl.when(par == 1)
      def _():
        @plsc.parallel_loop(0, bw // _L)
        def _x1(l):
          col = plsc.load_gather(
              xslab, [(l * _L + lanes) * S + s])
          plsc.store_scatter(idx1, [l * _L + lanes], col)

        pltpu.async_copy(table_hbm.at[idx1], gbuf.at[pl.ds(bw, bw)], gsem1)

    def wait_gather(par):
      @pl.when(par == 0)
      def _():
        pltpu.make_async_copy(
            table_hbm.at[idx0], gbuf.at[pl.ds(0, bw)], gsem0).wait()

      @pl.when(par == 1)
      def _():
        pltpu.make_async_copy(
            table_hbm.at[idx1], gbuf.at[pl.ds(bw, bw)], gsem1).wait()

    def out_slab(s):
      return out_hbm.at[s, pl.ds(0, D), pl.ds(b0, bw)]

    def start_write(s, par):
      @pl.when(par == 0)
      def _():
        pltpu.async_copy(obuf.at[pl.ds(0, D)], out_slab(s), wsem0)

      @pl.when(par == 1)
      def _():
        pltpu.async_copy(obuf.at[pl.ds(D, D)], out_slab(s), wsem1)

    def wait_write(s, par):
      @pl.when(par == 0)
      def _():
        pltpu.make_async_copy(obuf.at[pl.ds(0, D)], out_slab(s), wsem0).wait()

      @pl.when(par == 1)
      def _():
        pltpu.make_async_copy(obuf.at[pl.ds(D, D)], out_slab(s), wsem1).wait()

    start_gather(0)

    def step(s, _):
      par = lax.rem(s, 2)

      @pl.when(s + 1 < S)
      def _():
        start_gather(s + 1)

      @pl.when(s >= 2)
      def _():
        wait_write(s - 2, par)

      wait_gather(par)

      grow0 = par * bw
      orow0 = par * D

      @plsc.parallel_loop(0, NB * D, unroll=64)
      def _tr(i):
        vb = i // D
        e = i - vb * D
        vv = grow0 + vb * _L + lanes
        row = plsc.load_gather(gbuf, [vv, jnp.full((_L,), e, jnp.int32)])
        plsc.store_scatter(
            obuf, [jnp.full((_L,), orow0 + e, jnp.int32),
                   vb * _L + lanes], row)
      start_write(s, par)
      return 0

    lax.fori_loop(0, S, step, 0)
    wait_write(S - 2, lax.rem(S - 2, 2))
    wait_write(S - 1, lax.rem(S - 1, 2))

  return k


def kernel(x, table):
  B0, S = x.shape
  V, D = table.shape
  out2 = _build(B0, S, V, D)(x.reshape(B0 * S).astype(jnp.int32), table)
  return out2.transpose(2, 0, 1)

# --- scband reference (transcript-rebuilt; emitter-appended) ---
"""Pipeline reference for scband-word-embedding-77790447665702 (READ-ONLY COPY).

The authoritative reference and input builder live on the scoring server;
editing this copy changes nothing except your own understanding.
"""

import jax, jax.numpy as jnp
import numpy as np

VOCAB = 1000000
EMBED_DIM = 32

def setup_inputs(seed: int = 0) -> dict:
    key = jax.random.key(seed)
    k_idx, k_tab = jax.random.split(key)
    x = jax.random.randint(k_idx, (16384, 50), 0, VOCAB, dtype=jnp.int64)
    table = jax.random.normal(k_tab, (VOCAB, EMBED_DIM), dtype=jnp.float32) * 0.02
    return {"x": x, "table": table}

def reference(x, table):
    # nn.Embedding forward: row gather from the embedding table
    return jnp.take(table, x, axis=0)

if __name__ == "__main__":
    import jax
    _d = setup_inputs()
    print(jax.jit(kernel)(*tuple(_d.values())))

</pallas_src>

<mosaic_0001>
#map = affine_map<(d0, d1) -> (0)>
#map1 = affine_map<(d0, d1) -> (0, 0)>
#map2 = affine_map<(d0, d1) -> (0, 0, 0)>
module attributes {stable_mosaic.version = 14 : i64} {
  func.func @k(%arg0: i32, %arg1: i32, %arg2: memref<819200xi32, #tpu.memory_space<hbm>>, %arg3: memref<1000000x32xf32, #tpu.memory_space<hbm>>, %arg4: memref<50x32x16384xf32, #tpu.memory_space<hbm>>, %arg5: memref<25600xi32, #tpu.memory_space<vmem>>, %arg6: memref<512xi32, #tpu.memory_space<vmem>>, %arg7: memref<512xi32, #tpu.memory_space<vmem>>, %arg8: memref<1024x32xf32, #tpu.memory_space<vmem>>, %arg9: memref<64x512xf32, #tpu.memory_space<vmem>>, %arg10: memref<!tpu.dma_semaphore, #tpu.memory_space<semaphore_mem>>, %arg11: memref<!tpu.dma_semaphore, #tpu.memory_space<semaphore_mem>>, %arg12: memref<!tpu.dma_semaphore, #tpu.memory_space<semaphore_mem>>, %arg13: memref<!tpu.dma_semaphore, #tpu.memory_space<semaphore_mem>>) attributes {dimension_semantics = [#tpu.dimension_semantics<core_parallel>, #tpu.dimension_semantics<subcore_parallel>], iteration_bounds = array<i64: 2, 16>, scalar_prefetch = 0 : i64, scratch_operands = 9 : i64, tpu.core_type = #tpu.core_type<sc_vector_subcore>, window_params = [{transform_indices = #map}, {transform_indices = #map1}, {transform_indices = #map2}]} {
    %mul3A = arith.constant 2 : i32
    %mul3A_0 = arith.muli %arg1, %mul3A : i32
    %add3A = arith.addi %mul3A_0, %arg0 : i32
    %mul3A_1 = arith.constant 512 : i32
    %mul3A_2 = arith.muli %add3A, %mul3A_1 : i32
    %iota3A = tpu.iota {dimensions = array<i32: 0>} : vector<16xi32>
    %mul3A_3 = arith.constant 50 : i32
    %mul3A_4 = arith.muli %mul3A_2, %mul3A_3 : i32
    "tpu.region"() ({
      %run_scoped3A = tpu.sem_alloc : memref<!tpu.dma_semaphore, #tpu.memory_space<semaphore_mem>>
      %dma_start3A = tpu.memref_slice %arg2[%mul3A_4] : memref<819200xi32, #tpu.memory_space<hbm>> -> memref<25600xi32, #tpu.memory_space<hbm>>
      %dma_start3A_46 = tpu.memref_slice %arg2[%mul3A_4] : memref<819200xi32, #tpu.memory_space<hbm>> -> memref<25600xi32, #tpu.memory_space<hbm>>
      tpu.enqueue_dma source(%dma_start3A_46 : memref<25600xi32, #tpu.memory_space<hbm>>) target(%arg5 : memref<25600xi32, #tpu.memory_space<vmem>>) target_semaphore(%run_scoped3A : memref<!tpu.dma_semaphore, #tpu.memory_space<semaphore_mem>>)
      %dma_wait3A = tpu.memref_slice %arg2[%mul3A_4] : memref<819200xi32, #tpu.memory_space<hbm>> -> memref<25600xi32, #tpu.memory_space<hbm>>
      %dma_wait3A_47 = tpu.memref_slice %arg2[%mul3A_4] : memref<819200xi32, #tpu.memory_space<hbm>> -> memref<25600xi32, #tpu.memory_space<hbm>>
      tpu.wait_dma2 semaphore(%run_scoped3A : memref<!tpu.dma_semaphore, #tpu.memory_space<semaphore_mem>>) src(%dma_wait3A_47 : memref<25600xi32, #tpu.memory_space<hbm>>) dst(%arg5 : memref<25600xi32, #tpu.memory_space<vmem>>)
      tpu.yield
    }) : () -> ()
    %rem3A = arith.constant 0 : i32
    %rem3A_5 = arith.constant 2 : i32
    %rem3A_6 = arith.remsi %rem3A, %rem3A_5 : i32
    %eq3A = arith.constant 0 : i32
    %eq3A_7 = arith.cmpi eq, %rem3A_6, %eq3A : i32
    %convert_element_type3A = arith.extui %eq3A_7 : i1 to i32
    %cond3A = arith.constant 0 : i32
    %cond3A_8 = arith.cmpi ne, %convert_element_type3A, %cond3A : i32
    scf.if %cond3A_8 {
      %parallel_loop3A = arith.constant 0 : i32
      %parallel_loop3A_46 = arith.constant 32 : i32
      %parallel_loop3A_47 = arith.constant 1 : i32
      scf.for %parallel_loop3A_53 = %parallel_loop3A to %parallel_loop3A_46 step %parallel_loop3A_47  : i32 {
        %parallel_loop3A_54 = arith.constant 16 : i32
        %parallel_loop3A_55 = arith.muli %parallel_loop3A_53, %parallel_loop3A_54 : i32
        %parallel_loop3A_56 = vector.broadcast %parallel_loop3A_55 : i32 to vector<16xi32>
        %parallel_loop3A_57 = arith.addi %parallel_loop3A_56, %iota3A : vector<16xi32>
        %parallel_loop3A_58 = arith.constant 50 : i32
        %parallel_loop3A_59 = vector.broadcast %parallel_loop3A_58 : i32 to vector<16xi32>
        %parallel_loop3A_60 = arith.muli %parallel_loop3A_57, %parallel_loop3A_59 : vector<16xi32>
        %parallel_loop3A_61 = arith.constant 0 : i32
        %parallel_loop3A_62 = vector.broadcast %parallel_loop3A_61 : i32 to vector<16xi32>
        %parallel_loop3A_63 = arith.addi %parallel_loop3A_60, %parallel_loop3A_62 : vector<16xi32>
        %parallel_loop3A_64 = tpu.vector_load_idx %arg5[%parallel_loop3A_63] : memref<25600xi32, #tpu.memory_space<vmem>>[vector<16xi32>], vector<16xi32>,
        %parallel_loop3A_65 = arith.constant 16 : i32
        %parallel_loop3A_66 = arith.muli %parallel_loop3A_53, %parallel_loop3A_65 : i32
        %parallel_loop3A_67 = vector.broadcast %parallel_loop3A_66 : i32 to vector<16xi32>
        %parallel_loop3A_68 = arith.addi %parallel_loop3A_67, %iota3A : vector<16xi32>
        tpu.vector_store_idx %arg6[%parallel_loop3A_68], %parallel_loop3A_64 : memref<512xi32, #tpu.memory_space<vmem>>[vector<16xi32>], vector<16xi32>,
      } {sc.loop_unroll_factor = 1 : i64, sc.parallel_access}
      %dma_start3A = arith.constant 0 : i32
      %dma_start3A_48 = arith.constant 0 : i32
      %dma_start3A_49 = tpu.memref_slice %arg8[%dma_start3A, %dma_start3A_48] : memref<1024x32xf32, #tpu.memory_space<vmem>> -> memref<512x32xf32, #tpu.memory_space<vmem>>
      %dma_start3A_50 = arith.constant 0 : i32
      %dma_start3A_51 = arith.constant 0 : i32
      %dma_start3A_52 = tpu.memref_slice %arg3[%dma_start3A_50, %dma_start3A_51] : memref<1000000x32xf32, #tpu.memory_space<hbm>> -> memref<1000000x32xf32, #tpu.memory_space<hbm>>
      tpu.enqueue_indirect_dma source(%dma_start3A_52 : memref<1000000x32xf32, #tpu.memory_space<hbm>>) target(%dma_start3A_49 : memref<512x32xf32, #tpu.memory_space<vmem>>) offsets(%arg6 : memref<512xi32, #tpu.memory_space<vmem>>) semaphore(%arg10 : memref<!tpu.dma_semaphore, #tpu.memory_space<semaphore_mem>>)
    } else {
    }
    %eq3A_9 = arith.constant 1 : i32
    %eq3A_10 = arith.cmpi eq, %rem3A_6, %eq3A_9 : i32
    %convert_element_type3A_11 = arith.extui %eq3A_10 : i1 to i32
    %cond3A_12 = arith.constant 0 : i32
    %cond3A_13 = arith.cmpi ne, %convert_element_type3A_11, %cond3A_12 : i32
    scf.if %cond3A_13 {
      %parallel_loop3A = arith.constant 0 : i32
      %parallel_loop3A_46 = arith.constant 32 : i32
      %parallel_loop3A_47 = arith.constant 1 : i32
      scf.for %parallel_loop3A_53 = %parallel_loop3A to %parallel_loop3A_46 step %parallel_loop3A_47  : i32 {
        %parallel_loop3A_54 = arith.constant 16 : i32
        %parallel_loop3A_55 = arith.muli %parallel_loop3A_53, %parallel_loop3A_54 : i32
        %parallel_loop3A_56 = vector.broadcast %parallel_loop3A_55 : i32 to vector<16xi32>
        %parallel_loop3A_57 = arith.addi %parallel_loop3A_56, %iota3A : vector<16xi32>
        %parallel_loop3A_58 = arith.constant 50 : i32
        %parallel_loop3A_59 = vector.broadcast %parallel_loop3A_58 : i32 to vector<16xi32>
        %parallel_loop3A_60 = arith.muli %parallel_loop3A_57, %parallel_loop3A_59 : vector<16xi32>
        %parallel_loop3A_61 = arith.constant 0 : i32
        %parallel_loop3A_62 = vector.broadcast %parallel_loop3A_61 : i32 to vector<16xi32>
        %parallel_loop3A_63 = arith.addi %parallel_loop3A_60, %parallel_loop3A_62 : vector<16xi32>
        %parallel_loop3A_64 = tpu.vector_load_idx %arg5[%parallel_loop3A_63] : memref<25600xi32, #tpu.memory_space<vmem>>[vector<16xi32>], vector<16xi32>,
        %parallel_loop3A_65 = arith.constant 16 : i32
        %parallel_loop3A_66 = arith.muli %parallel_loop3A_53, %parallel_loop3A_65 : i32
        %parallel_loop3A_67 = vector.broadcast %parallel_loop3A_66 : i32 to vector<16xi32>
        %parallel_loop3A_68 = arith.addi %parallel_loop3A_67, %iota3A : vector<16xi32>
        tpu.vector_store_idx %arg7[%parallel_loop3A_68], %parallel_loop3A_64 : memref<512xi32, #tpu.memory_space<vmem>>[vector<16xi32>], vector<16xi32>,
      } {sc.loop_unroll_factor = 1 : i64, sc.parallel_access}
      %dma_start3A = arith.constant 512 : i32
      %dma_start3A_48 = arith.constant 0 : i32
      %dma_start3A_49 = tpu.memref_slice %arg8[%dma_start3A, %dma_start3A_48] : memref<1024x32xf32, #tpu.memory_space<vmem>> -> memref<512x32xf32, #tpu.memory_space<vmem>>
      %dma_start3A_50 = arith.constant 0 : i32
      %dma_start3A_51 = arith.constant 0 : i32
      %dma_start3A_52 = tpu.memref_slice %arg3[%dma_start3A_50, %dma_start3A_51] : memref<1000000x32xf32, #tpu.memory_space<hbm>> -> memref<1000000x32xf32, #tpu.memory_space<hbm>>
      tpu.enqueue_indirect_dma source(%dma_start3A_52 : memref<1000000x32xf32, #tpu.memory_space<hbm>>) target(%dma_start3A_49 : memref<512x32xf32, #tpu.memory_space<vmem>>) offsets(%arg7 : memref<512xi32, #tpu.memory_space<vmem>>) semaphore(%arg11 : memref<!tpu.dma_semaphore, #tpu.memory_space<semaphore_mem>>)
    } else {
    }
    %scan3A = arith.constant 0 : i32
    %scan3A_14 = arith.constant 0 : i32
    %scan3A_15 = arith.constant 50 : i32
    %scan3A_16 = arith.addi %scan3A_14, %scan3A_15 : i32
    %scan3A_17 = arith.constant 1 : i32
    %scan3A_18 = scf.for %scan3A_46 = %scan3A_14 to %scan3A_16 step %scan3A_17 iter_args(%scan3A_47 = %scan3A) -> (i32)  : i32 {
      %rem3A_48 = arith.constant 2 : i32
      %rem3A_49 = arith.remsi %scan3A_46, %rem3A_48 : i32
      %add3A_50 = arith.constant 1 : i32
      %add3A_51 = arith.addi %scan3A_46, %add3A_50 : i32
      %lt3A = arith.constant 50 : i32
      %lt3A_52 = arith.cmpi slt, %add3A_51, %lt3A : i32
      %convert_element_type3A_53 = arith.extui %lt3A_52 : i1 to i32
      %cond3A_54 = arith.constant 0 : i32
      %cond3A_55 = arith.cmpi ne, %convert_element_type3A_53, %cond3A_54 : i32
      scf.if %cond3A_55 {
        %add3A_87 = arith.constant 1 : i32
        %add3A_88 = arith.addi %scan3A_46, %add3A_87 : i32
        %rem3A_89 = arith.constant 2 : i32
        %rem3A_90 = arith.remsi %add3A_88, %rem3A_89 : i32
        %eq3A_91 = arith.constant 0 : i32
        %eq3A_92 = arith.cmpi eq, %rem3A_90, %eq3A_91 : i32
        %convert_element_type3A_93 = arith.extui %eq3A_92 : i1 to i32
        %cond3A_94 = arith.constant 0 : i32
        %cond3A_95 = arith.cmpi ne, %convert_element_type3A_93, %cond3A_94 : i32
        scf.if %cond3A_95 {
          %parallel_loop3A_101 = arith.constant 0 : i32
          %parallel_loop3A_102 = arith.constant 32 : i32
          %parallel_loop3A_103 = arith.constant 1 : i32
          scf.for %parallel_loop3A_109 = %parallel_loop3A_101 to %parallel_loop3A_102 step %parallel_loop3A_103  : i32 {
            %parallel_loop3A_110 = arith.constant 16 : i32
            %parallel_loop3A_111 = arith.muli %parallel_loop3A_109, %parallel_loop3A_110 : i32
            %parallel_loop3A_112 = vector.broadcast %parallel_loop3A_111 : i32 to vector<16xi32>
            %parallel_loop3A_113 = arith.addi %parallel_loop3A_112, %iota3A : vector<16xi32>
            %parallel_loop3A_114 = arith.constant 50 : i32
            %parallel_loop3A_115 = vector.broadcast %parallel_loop3A_114 : i32 to vector<16xi32>
            %parallel_loop3A_116 = arith.muli %parallel_loop3A_113, %parallel_loop3A_115 : vector<16xi32>
            %parallel_loop3A_117 = vector.broadcast %add3A_88 : i32 to vector<16xi32>
            %parallel_loop3A_118 = arith.addi %parallel_loop3A_116, %parallel_loop3A_117 : vector<16xi32>
            %parallel_loop3A_119 = tpu.vector_load_idx %arg5[%parallel_loop3A_118] : memref<25600xi32, #tpu.memory_space<vmem>>[vector<16xi32>], vector<16xi32>,
            %parallel_loop3A_120 = arith.constant 16 : i32
            %parallel_loop3A_121 = arith.muli %parallel_loop3A_109, %parallel_loop3A_120 : i32
            %parallel_loop3A_122 = vector.broadcast %parallel_loop3A_121 : i32 to vector<16xi32>
            %parallel_loop3A_123 = arith.addi %parallel_loop3A_122, %iota3A : vector<16xi32>
            tpu.vector_store_idx %arg6[%parallel_loop3A_123], %parallel_loop3A_119 : memref<512xi32, #tpu.memory_space<vmem>>[vector<16xi32>], vector<16xi32>,
          } {sc.loop_unroll_factor = 1 : i64, sc.parallel_access}
          %dma_start3A = arith.constant 0 : i32
          %dma_start3A_104 = arith.constant 0 : i32
          %dma_start3A_105 = tpu.memref_slice %arg8[%dma_start3A, %dma_start3A_104] : memref<1024x32xf32, #tpu.memory_space<vmem>> -> memref<512x32xf32, #tpu.memory_space<vmem>>
          %dma_start3A_106 = arith.constant 0 : i32
          %dma_start3A_107 = arith.constant 0 : i32
          %dma_start3A_108 = tpu.memref_slice %arg3[%dma_start3A_106, %dma_start3A_107] : memref<1000000x32xf32, #tpu.memory_space<hbm>> -> memref<1000000x32xf32, #tpu.memory_space<hbm>>
          tpu.enqueue_indirect_dma source(%dma_start3A_108 : memref<1000000x32xf32, #tpu.memory_space<hbm>>) target(%dma_start3A_105 : memref<512x32xf32, #tpu.memory_space<vmem>>) offsets(%arg6 : memref<512xi32, #tpu.memory_space<vmem>>) semaphore(%arg10 : memref<!tpu.dma_semaphore, #tpu.memory_space<semaphore_mem>>)
        } else {
        }
        %eq3A_96 = arith.constant 1 : i32
        %eq3A_97 = arith.cmpi eq, %rem3A_90, %eq3A_96 : i32
        %convert_element_type3A_98 = arith.extui %eq3A_97 : i1 to i32
        %cond3A_99 = arith.constant 0 : i32
        %cond3A_100 = arith.cmpi ne, %convert_element_type3A_98, %cond3A_99 : i32
        scf.if %cond3A_100 {
          %parallel_loop3A_101 = arith.constant 0 : i32
          %parallel_loop3A_102 = arith.constant 32 : i32
          %parallel_loop3A_103 = arith.constant 1 : i32
          scf.for %parallel_loop3A_109 = %parallel_loop3A_101 to %parallel_loop3A_102 step %parallel_loop3A_103  : i32 {
            %parallel_loop3A_110 = arith.constant 16 : i32
            %parallel_loop3A_111 = arith.muli %parallel_loop3A_109, %parallel_loop3A_110 : i32
            %parallel_loop3A_112 = vector.broadcast %parallel_loop3A_111 : i32 to vector<16xi32>
            %parallel_loop3A_113 = arith.addi %parallel_loop3A_112, %iota3A : vector<16xi32>
            %parallel_loop3A_114 = arith.constant 50 : i32
            %parallel_loop3A_115 = vector.broadcast %parallel_loop3A_114 : i32 to vector<16xi32>
            %parallel_loop3A_116 = arith.muli %parallel_loop3A_113, %parallel_loop3A_115 : vector<16xi32>
            %parallel_loop3A_117 = vector.broadcast %add3A_88 : i32 to vector<16xi32>
            %parallel_loop3A_118 = arith.addi %parallel_loop3A_116, %parallel_loop3A_117 : vector<16xi32>
            %parallel_loop3A_119 = tpu.vector_load_idx %arg5[%parallel_loop3A_118] : memref<25600xi32, #tpu.memory_space<vmem>>[vector<16xi32>], vector<16xi32>,
            %parallel_loop3A_120 = arith.constant 16 : i32
            %parallel_loop3A_121 = arith.muli %parallel_loop3A_109, %parallel_loop3A_120 : i32
            %parallel_loop3A_122 = vector.broadcast %parallel_loop3A_121 : i32 to vector<16xi32>
            %parallel_loop3A_123 = arith.addi %parallel_loop3A_122, %iota3A : vector<16xi32>
            tpu.vector_store_idx %arg7[%parallel_loop3A_123], %parallel_loop3A_119 : memref<512xi32, #tpu.memory_space<vmem>>[vector<16xi32>], vector<16xi32>,
          } {sc.loop_unroll_factor = 1 : i64, sc.parallel_access}
          %dma_start3A = arith.constant 512 : i32
          %dma_start3A_104 = arith.constant 0 : i32
          %dma_start3A_105 = tpu.memref_slice %arg8[%dma_start3A, %dma_start3A_104] : memref<1024x32xf32, #tpu.memory_space<vmem>> -> memref<512x32xf32, #tpu.memory_space<vmem>>
          %dma_start3A_106 = arith.constant 0 : i32
          %dma_start3A_107 = arith.constant 0 : i32
          %dma_start3A_108 = tpu.memref_slice %arg3[%dma_start3A_106, %dma_start3A_107] : memref<1000000x32xf32, #tpu.memory_space<hbm>> -> memref<1000000x32xf32, #tpu.memory_space<hbm>>
          tpu.enqueue_indirect_dma source(%dma_start3A_108 : memref<1000000x32xf32, #tpu.memory_space<hbm>>) target(%dma_start3A_105 : memref<512x32xf32, #tpu.memory_space<vmem>>) offsets(%arg7 : memref<512xi32, #tpu.memory_space<vmem>>) semaphore(%arg11 : memref<!tpu.dma_semaphore, #tpu.memory_space<semaphore_mem>>)
        } else {
        }
      } else {
      }
      %ge3A = arith.constant 2 : i32
      %ge3A_56 = arith.cmpi sge, %scan3A_46, %ge3A : i32
      %convert_element_type3A_57 = arith.extui %ge3A_56 : i1 to i32
      %cond3A_58 = arith.constant 0 : i32
      %cond3A_59 = arith.cmpi ne, %convert_element_type3A_57, %cond3A_58 : i32
      scf.if %cond3A_59 {
        %sub3A = arith.constant 2 : i32
        %sub3A_87 = arith.subi %scan3A_46, %sub3A : i32
        %eq3A_88 = arith.constant 0 : i32
        %eq3A_89 = arith.cmpi eq, %rem3A_49, %eq3A_88 : i32
        %convert_element_type3A_90 = arith.extui %eq3A_89 : i1 to i32
        %cond3A_91 = arith.constant 0 : i32
        %cond3A_92 = arith.cmpi ne, %convert_element_type3A_90, %cond3A_91 : i32
        scf.if %cond3A_92 {
          %dma_wait3A = arith.constant 0 : i32
          %dma_wait3A_98 = arith.constant 0 : i32
          %dma_wait3A_99 = tpu.memref_slice %arg9[%dma_wait3A, %dma_wait3A_98] : memref<64x512xf32, #tpu.memory_space<vmem>> -> memref<32x512xf32, #tpu.memory_space<vmem>>
          %dma_wait3A_100 = arith.constant 0 : i32
          %dma_wait3A_101 = tpu.memref_slice %arg4[%sub3A_87, %dma_wait3A_100, %mul3A_2] : memref<50x32x16384xf32, #tpu.memory_space<hbm>> -> memref<1x32x512xf32, #tpu.memory_space<hbm>>
          %dma_wait3A_102 = tpu.memref_squeeze %dma_wait3A_101 : memref<1x32x512xf32, #tpu.memory_space<hbm>> -> memref<32x512xf32, #tpu.memory_space<hbm>>
          %dma_wait3A_103 = arith.constant 0 : i32
          %dma_wait3A_104 = tpu.memref_slice %arg4[%sub3A_87, %dma_wait3A_103, %mul3A_2] : memref<50x32x16384xf32, #tpu.memory_space<hbm>> -> memref<1x32x512xf32, #tpu.memory_space<hbm>>
          %dma_wait3A_105 = tpu.memref_squeeze %dma_wait3A_104 : memref<1x32x512xf32, #tpu.memory_space<hbm>> -> memref<32x512xf32, #tpu.memory_space<hbm>>
          %dma_wait3A_106 = arith.constant 0 : i32
          %dma_wait3A_107 = arith.constant 0 : i32
          %dma_wait3A_108 = tpu.memref_slice %arg9[%dma_wait3A_106, %dma_wait3A_107] : memref<64x512xf32, #tpu.memory_space<vmem>> -> memref<32x512xf32, #tpu.memory_space<vmem>>
          tpu.wait_dma2 semaphore(%arg12 : memref<!tpu.dma_semaphore, #tpu.memory_space<semaphore_mem>>) src(%dma_wait3A_108 : memref<32x512xf32, #tpu.memory_space<vmem>>) dst(%dma_wait3A_105 : memref<32x512xf32, #tpu.memory_space<hbm>>)
        } else {
        }
        %eq3A_93 = arith.constant 1 : i32
        %eq3A_94 = arith.cmpi eq, %rem3A_49, %eq3A_93 : i32
        %convert_element_type3A_95 = arith.extui %eq3A_94 : i1 to i32
        %cond3A_96 = arith.constant 0 : i32
        %cond3A_97 = arith.cmpi ne, %convert_element_type3A_95, %cond3A_96 : i32
        scf.if %cond3A_97 {
          %dma_wait3A = arith.constant 32 : i32
          %dma_wait3A_98 = arith.constant 0 : i32
          %dma_wait3A_99 = tpu.memref_slice %arg9[%dma_wait3A, %dma_wait3A_98] : memref<64x512xf32, #tpu.memory_space<vmem>> -> memref<32x512xf32, #tpu.memory_space<vmem>>
          %dma_wait3A_100 = arith.constant 0 : i32
          %dma_wait3A_101 = tpu.memref_slice %arg4[%sub3A_87, %dma_wait3A_100, %mul3A_2] : memref<50x32x16384xf32, #tpu.memory_space<hbm>> -> memref<1x32x512xf32, #tpu.memory_space<hbm>>
          %dma_wait3A_102 = tpu.memref_squeeze %dma_wait3A_101 : memref<1x32x512xf32, #tpu.memory_space<hbm>> -> memref<32x512xf32, #tpu.memory_space<hbm>>
          %dma_wait3A_103 = arith.constant 0 : i32
          %dma_wait3A_104 = tpu.memref_slice %arg4[%sub3A_87, %dma_wait3A_103, %mul3A_2] : memref<50x32x16384xf32, #tpu.memory_space<hbm>> -> memref<1x32x512xf32, #tpu.memory_space<hbm>>
          %dma_wait3A_105 = tpu.memref_squeeze %dma_wait3A_104 : memref<1x32x512xf32, #tpu.memory_space<hbm>> -> memref<32x512xf32, #tpu.memory_space<hbm>>
          %dma_wait3A_106 = arith.constant 32 : i32
          %dma_wait3A_107 = arith.constant 0 : i32
          %dma_wait3A_108 = tpu.memref_slice %arg9[%dma_wait3A_106, %dma_wait3A_107] : memref<64x512xf32, #tpu.memory_space<vmem>> -> memref<32x512xf32, #tpu.memory_space<vmem>>
          tpu.wait_dma2 semaphore(%arg13 : memref<!tpu.dma_semaphore, #tpu.memory_space<semaphore_mem>>) src(%dma_wait3A_108 : memref<32x512xf32, #tpu.memory_space<vmem>>) dst(%dma_wait3A_105 : memref<32x512xf32, #tpu.memory_space<hbm>>)
        } else {
        }
      } else {
      }
      %eq3A_60 = arith.constant 0 : i32
      %eq3A_61 = arith.cmpi eq, %rem3A_49, %eq3A_60 : i32
      %convert_element_type3A_62 = arith.extui %eq3A_61 : i1 to i32
      %cond3A_63 = arith.constant 0 : i32
      %cond3A_64 = arith.cmpi ne, %convert_element_type3A_62, %cond3A_63 : i32
      scf.if %cond3A_64 {
        %dma_wait3A = arith.constant 0 : i32
        %dma_wait3A_87 = arith.constant 0 : i32
        %dma_wait3A_88 = tpu.memref_slice %arg8[%dma_wait3A, %dma_wait3A_87] : memref<1024x32xf32, #tpu.memory_space<vmem>> -> memref<512x32xf32, #tpu.memory_space<vmem>>
        %dma_wait3A_89 = arith.constant 0 : i32
        %dma_wait3A_90 = arith.constant 0 : i32
        %dma_wait3A_91 = tpu.memref_slice %arg3[%dma_wait3A_89, %dma_wait3A_90] : memref<1000000x32xf32, #tpu.memory_space<hbm>> -> memref<1000000x32xf32, #tpu.memory_space<hbm>>
        tpu.wait_indirect_dma semaphore(%arg10 : memref<!tpu.dma_semaphore, #tpu.memory_space<semaphore_mem>>) src(%dma_wait3A_91 : memref<1000000x32xf32, #tpu.memory_space<hbm>>) dst(%dma_wait3A_88 : memref<512x32xf32, #tpu.memory_space<vmem>>)
      } else {
      }
      %eq3A_65 = arith.constant 1 : i32
      %eq3A_66 = arith.cmpi eq, %rem3A_49, %eq3A_65 : i32
      %convert_element_type3A_67 = arith.extui %eq3A_66 : i1 to i32
      %cond3A_68 = arith.constant 0 : i32
      %cond3A_69 = arith.cmpi ne, %convert_element_type3A_67, %cond3A_68 : i32
      scf.if %cond3A_69 {
        %dma_wait3A = arith.constant 512 : i32
        %dma_wait3A_87 = arith.constant 0 : i32
        %dma_wait3A_88 = tpu.memref_slice %arg8[%dma_wait3A, %dma_wait3A_87] : memref<1024x32xf32, #tpu.memory_space<vmem>> -> memref<512x32xf32, #tpu.memory_space<vmem>>
        %dma_wait3A_89 = arith.constant 0 : i32
        %dma_wait3A_90 = arith.constant 0 : i32
        %dma_wait3A_91 = tpu.memref_slice %arg3[%dma_wait3A_89, %dma_wait3A_90] : memref<1000000x32xf32, #tpu.memory_space<hbm>> -> memref<1000000x32xf32, #tpu.memory_space<hbm>>
        tpu.wait_indirect_dma semaphore(%arg11 : memref<!tpu.dma_semaphore, #tpu.memory_space<semaphore_mem>>) src(%dma_wait3A_91 : memref<1000000x32xf32, #tpu.memory_space<hbm>>) dst(%dma_wait3A_88 : memref<512x32xf32, #tpu.memory_space<vmem>>)
      } else {
      }
      %mul3A_70 = arith.constant 512 : i32
      %mul3A_71 = arith.muli %rem3A_49, %mul3A_70 : i32
      %mul3A_72 = arith.constant 32 : i32
      %mul3A_73 = arith.muli %rem3A_49, %mul3A_72 : i32
      %parallel_loop3A = arith.constant 0 : i32
      %parallel_loop3A_74 = arith.constant 1024 : i32
      %parallel_loop3A_75 = arith.constant 1 : i32
      scf.for %parallel_loop3A_87 = %parallel_loop3A to %parallel_loop3A_74 step %parallel_loop3A_75  : i32 {
        %parallel_loop3A_88 = arith.constant 32 : i32
        %parallel_loop3A_89 = arith.divsi %parallel_loop3A_87, %parallel_loop3A_88 : i32
        %parallel_loop3A_90 = arith.constant 0 : i32
        %parallel_loop3A_91 = arith.cmpi sgt, %parallel_loop3A_87, %parallel_loop3A_90 : i32
        %parallel_loop3A_92 = arith.extui %parallel_loop3A_91 : i1 to i32
        %parallel_loop3A_93 = arith.constant 0 : i32
        %parallel_loop3A_94 = arith.cmpi slt, %parallel_loop3A_87, %parallel_loop3A_93 : i32
        %parallel_loop3A_95 = arith.extui %parallel_loop3A_94 : i1 to i32
        %parallel_loop3A_96 = arith.subi %parallel_loop3A_92, %parallel_loop3A_95 : i32
        %parallel_loop3A_97 = arith.constant 0 : i32
        %parallel_loop3A_98 = arith.cmpi sgt, %parallel_loop3A_88, %parallel_loop3A_97 : i32
        %parallel_loop3A_99 = arith.extui %parallel_loop3A_98 : i1 to i32
        %parallel_loop3A_100 = arith.constant 0 : i32
        %parallel_loop3A_101 = arith.cmpi slt, %parallel_loop3A_88, %parallel_loop3A_100 : i32
        %parallel_loop3A_102 = arith.extui %parallel_loop3A_101 : i1 to i32
        %parallel_loop3A_103 = arith.subi %parallel_loop3A_99, %parallel_loop3A_102 : i32
        %parallel_loop3A_104 = arith.cmpi ne, %parallel_loop3A_96, %parallel_loop3A_103 : i32
        %parallel_loop3A_105 = arith.remsi %parallel_loop3A_87, %parallel_loop3A_88 : i32
        %parallel_loop3A_106 = arith.constant 0 : i32
        %parallel_loop3A_107 = arith.cmpi ne, %parallel_loop3A_105, %parallel_loop3A_106 : i32
        %parallel_loop3A_108 = arith.andi %parallel_loop3A_104, %parallel_loop3A_107 : i1
        %parallel_loop3A_109 = arith.constant 1 : i32
        %parallel_loop3A_110 = arith.subi %parallel_loop3A_89, %parallel_loop3A_109 : i32
        %parallel_loop3A_111 = arith.select %parallel_loop3A_108, %parallel_loop3A_110, %parallel_loop3A_89 : i32
        %parallel_loop3A_112 = arith.constant 32 : i32
        %parallel_loop3A_113 = arith.muli %parallel_loop3A_111, %parallel_loop3A_112 : i32
        %parallel_loop3A_114 = arith.subi %parallel_loop3A_87, %parallel_loop3A_113 : i32
        %parallel_loop3A_115 = arith.constant 16 : i32
        %parallel_loop3A_116 = arith.muli %parallel_loop3A_111, %parallel_loop3A_115 : i32
        %parallel_loop3A_117 = arith.addi %mul3A_71, %parallel_loop3A_116 : i32
        %parallel_loop3A_118 = vector.broadcast %parallel_loop3A_117 : i32 to vector<16xi32>
        %parallel_loop3A_119 = arith.addi %parallel_loop3A_118, %iota3A : vector<16xi32>
        %parallel_loop3A_120 = vector.broadcast %parallel_loop3A_114 : i32 to vector<16xi32>
        %parallel_loop3A_121 = tpu.vector_load_idx %arg8[%parallel_loop3A_119, %parallel_loop3A_120] : memref<1024x32xf32, #tpu.memory_space<vmem>>[vector<16xi32>, vector<16xi32>], vector<16xf32>,
        %parallel_loop3A_122 = arith.addi %mul3A_73, %parallel_loop3A_114 : i32
        %parallel_loop3A_123 = vector.broadcast %parallel_loop3A_122 : i32 to vector<16xi32>
        %parallel_loop3A_124 = arith.constant 16 : i32
        %parallel_loop3A_125 = arith.muli %parallel_loop3A_111, %parallel_loop3A_124 : i32
        %parallel_loop3A_126 = vector.broadcast %parallel_loop3A_125 : i32 to vector<16xi32>
        %parallel_loop3A_127 = arith.addi %parallel_loop3A_126, %iota3A : vector<16xi32>
        tpu.vector_store_idx %arg9[%parallel_loop3A_123, %parallel_loop3A_127], %parallel_loop3A_121 : memref<64x512xf32, #tpu.memory_space<vmem>>[vector<16xi32>, vector<16xi32>], vector<16xf32>,
      } {sc.loop_unroll_factor = 64 : i64, sc.parallel_access}
      %eq3A_76 = arith.constant 0 : i32
      %eq3A_77 = arith.cmpi eq, %rem3A_49, %eq3A_76 : i32
      %convert_element_type3A_78 = arith.extui %eq3A_77 : i1 to i32
      %cond3A_79 = arith.constant 0 : i32
      %cond3A_80 = arith.cmpi ne, %convert_element_type3A_78, %cond3A_79 : i32
      scf.if %cond3A_80 {
        %dma_start3A = arith.constant 0 : i32
        %dma_start3A_87 = arith.constant 0 : i32
        %dma_start3A_88 = tpu.memref_slice %arg9[%dma_start3A, %dma_start3A_87] : memref<64x512xf32, #tpu.memory_space<vmem>> -> memref<32x512xf32, #tpu.memory_space<vmem>>
        %dma_start3A_89 = arith.constant 0 : i32
        %dma_start3A_90 = tpu.memref_slice %arg4[%scan3A_46, %dma_start3A_89, %mul3A_2] : memref<50x32x16384xf32, #tpu.memory_space<hbm>> -> memref<1x32x512xf32, #tpu.memory_space<hbm>>
        %dma_start3A_91 = tpu.memref_squeeze %dma_start3A_90 : memref<1x32x512xf32, #tpu.memory_space<hbm>> -> memref<32x512xf32, #tpu.memory_space<hbm>>
        %dma_start3A_92 = arith.constant 0 : i32
        %dma_start3A_93 = tpu.memref_slice %arg4[%scan3A_46, %dma_start3A_92, %mul3A_2] : memref<50x32x16384xf32, #tpu.memory_space<hbm>> -> memref<1x32x512xf32, #tpu.memory_space<hbm>>
        %dma_start3A_94 = tpu.memref_squeeze %dma_start3A_93 : memref<1x32x512xf32, #tpu.memory_space<hbm>> -> memref<32x512xf32, #tpu.memory_space<hbm>>
        %dma_start3A_95 = arith.constant 0 : i32
        %dma_start3A_96 = arith.constant 0 : i32
        %dma_start3A_97 = tpu.memref_slice %arg9[%dma_start3A_95, %dma_start3A_96] : memref<64x512xf32, #tpu.memory_space<vmem>> -> memref<32x512xf32, #tpu.memory_space<vmem>>
        tpu.enqueue_dma source(%dma_start3A_97 : memref<32x512xf32, #tpu.memory_space<vmem>>) target(%dma_start3A_94 : memref<32x512xf32, #tpu.memory_space<hbm>>) target_semaphore(%arg12 : memref<!tpu.dma_semaphore, #tpu.memory_space<semaphore_mem>>)
      } else {
      }
      %eq3A_81 = arith.constant 1 : i32
      %eq3A_82 = arith.cmpi eq, %rem3A_49, %eq3A_81 : i32
      %convert_element_type3A_83 = arith.extui %eq3A_82 : i1 to i32
      %cond3A_84 = arith.constant 0 : i32
      %cond3A_85 = arith.cmpi ne, %convert_element_type3A_83, %cond3A_84 : i32
      scf.if %cond3A_85 {
        %dma_start3A = arith.constant 32 : i32
        %dma_start3A_87 = arith.constant 0 : i32
        %dma_start3A_88 = tpu.memref_slice %arg9[%dma_start3A, %dma_start3A_87] : memref<64x512xf32, #tpu.memory_space<vmem>> -> memref<32x512xf32, #tpu.memory_space<vmem>>
        %dma_start3A_89 = arith.constant 0 : i32
        %dma_start3A_90 = tpu.memref_slice %arg4[%scan3A_46, %dma_start3A_89, %mul3A_2] : memref<50x32x16384xf32, #tpu.memory_space<hbm>> -> memref<1x32x512xf32, #tpu.memory_space<hbm>>
        %dma_start3A_91 = tpu.memref_squeeze %dma_start3A_90 : memref<1x32x512xf32, #tpu.memory_space<hbm>> -> memref<32x512xf32, #tpu.memory_space<hbm>>
        %dma_start3A_92 = arith.constant 0 : i32
        %dma_start3A_93 = tpu.memref_slice %arg4[%scan3A_46, %dma_start3A_92, %mul3A_2] : memref<50x32x16384xf32, #tpu.memory_space<hbm>> -> memref<1x32x512xf32, #tpu.memory_space<hbm>>
        %dma_start3A_94 = tpu.memref_squeeze %dma_start3A_93 : memref<1x32x512xf32, #tpu.memory_space<hbm>> -> memref<32x512xf32, #tpu.memory_space<hbm>>
        %dma_start3A_95 = arith.constant 32 : i32
        %dma_start3A_96 = arith.constant 0 : i32
        %dma_start3A_97 = tpu.memref_slice %arg9[%dma_start3A_95, %dma_start3A_96] : memref<64x512xf32, #tpu.memory_space<vmem>> -> memref<32x512xf32, #tpu.memory_space<vmem>>
        tpu.enqueue_dma source(%dma_start3A_97 : memref<32x512xf32, #tpu.memory_space<vmem>>) target(%dma_start3A_94 : memref<32x512xf32, #tpu.memory_space<hbm>>) target_semaphore(%arg13 : memref<!tpu.dma_semaphore, #tpu.memory_space<semaphore_mem>>)
      } else {
      }
      %scan3A_86 = arith.constant 0 : i32
      scf.yield %scan3A_86 : i32
    }
    %scan3A_19 = arith.constant 50 : i32
    %rem3A_20 = arith.constant 48 : i32
    %rem3A_21 = arith.constant 2 : i32
    %rem3A_22 = arith.remsi %rem3A_20, %rem3A_21 : i32
    %eq3A_23 = arith.constant 0 : i32
    %eq3A_24 = arith.cmpi eq, %rem3A_22, %eq3A_23 : i32
    %convert_element_type3A_25 = arith.extui %eq3A_24 : i1 to i32
    %cond3A_26 = arith.constant 0 : i32
    %cond3A_27 = arith.cmpi ne, %convert_element_type3A_25, %cond3A_26 : i32
    scf.if %cond3A_27 {
      %dma_wait3A = arith.constant 48 : i32
      %dma_wait3A_46 = arith.constant 0 : i32
      %dma_wait3A_47 = arith.constant 0 : i32
      %dma_wait3A_48 = tpu.memref_slice %arg9[%dma_wait3A_46, %dma_wait3A_47] : memref<64x512xf32, #tpu.memory_space<vmem>> -> memref<32x512xf32, #tpu.memory_space<vmem>>
      %dma_wait3A_49 = arith.constant 0 : i32
      %dma_wait3A_50 = tpu.memref_slice %arg4[%dma_wait3A, %dma_wait3A_49, %mul3A_2] : memref<50x32x16384xf32, #tpu.memory_space<hbm>> -> memref<1x32x512xf32, #tpu.memory_space<hbm>>
      %dma_wait3A_51 = tpu.memref_squeeze %dma_wait3A_50 : memref<1x32x512xf32, #tpu.memory_space<hbm>> -> memref<32x512xf32, #tpu.memory_space<hbm>>
      %dma_wait3A_52 = arith.constant 0 : i32
      %dma_wait3A_53 = tpu.memref_slice %arg4[%dma_wait3A, %dma_wait3A_52, %mul3A_2] : memref<50x32x16384xf32, #tpu.memory_space<hbm>> -> memref<1x32x512xf32, #tpu.memory_space<hbm>>
      %dma_wait3A_54 = tpu.memref_squeeze %dma_wait3A_53 : memref<1x32x512xf32, #tpu.memory_space<hbm>> -> memref<32x512xf32, #tpu.memory_space<hbm>>
      %dma_wait3A_55 = arith.constant 0 : i32
      %dma_wait3A_56 = arith.constant 0 : i32
      %dma_wait3A_57 = tpu.memref_slice %arg9[%dma_wait3A_55, %dma_wait3A_56] : memref<64x512xf32, #tpu.memory_space<vmem>> -> memref<32x512xf32, #tpu.memory_space<vmem>>
      tpu.wait_dma2 semaphore(%arg12 : memref<!tpu.dma_semaphore, #tpu.memory_space<semaphore_mem>>) src(%dma_wait3A_57 : memref<32x512xf32, #tpu.memory_space<vmem>>) dst(%dma_wait3A_54 : memref<32x512xf32, #tpu.memory_space<hbm>>)
    } else {
    }
    %eq3A_28 = arith.constant 1 : i32
    %eq3A_29 = arith.cmpi eq, %rem3A_22, %eq3A_28 : i32
    %convert_element_type3A_30 = arith.extui %eq3A_29 : i1 to i32
    %cond3A_31 = arith.constant 0 : i32
    %cond3A_32 = arith.cmpi ne, %convert_element_type3A_30, %cond3A_31 : i32
    scf.if %cond3A_32 {
      %dma_wait3A = arith.constant 48 : i32
      %dma_wait3A_46 = arith.constant 32 : i32
      %dma_wait3A_47 = arith.constant 0 : i32
      %dma_wait3A_48 = tpu.memref_slice %arg9[%dma_wait3A_46, %dma_wait3A_47] : memref<64x512xf32, #tpu.memory_space<vmem>> -> memref<32x512xf32, #tpu.memory_space<vmem>>
      %dma_wait3A_49 = arith.constant 0 : i32
      %dma_wait3A_50 = tpu.memref_slice %arg4[%dma_wait3A, %dma_wait3A_49, %mul3A_2] : memref<50x32x16384xf32, #tpu.memory_space<hbm>> -> memref<1x32x512xf32, #tpu.memory_space<hbm>>
      %dma_wait3A_51 = tpu.memref_squeeze %dma_wait3A_50 : memref<1x32x512xf32, #tpu.memory_space<hbm>> -> memref<32x512xf32, #tpu.memory_space<hbm>>
      %dma_wait3A_52 = arith.constant 0 : i32
      %dma_wait3A_53 = tpu.memref_slice %arg4[%dma_wait3A, %dma_wait3A_52, %mul3A_2] : memref<50x32x16384xf32, #tpu.memory_space<hbm>> -> memref<1x32x512xf32, #tpu.memory_space<hbm>>
      %dma_wait3A_54 = tpu.memref_squeeze %dma_wait3A_53 : memref<1x32x512xf32, #tpu.memory_space<hbm>> -> memref<32x512xf32, #tpu.memory_space<hbm>>
      %dma_wait3A_55 = arith.constant 32 : i32
      %dma_wait3A_56 = arith.constant 0 : i32
      %dma_wait3A_57 = tpu.memref_slice %arg9[%dma_wait3A_55, %dma_wait3A_56] : memref<64x512xf32, #tpu.memory_space<vmem>> -> memref<32x512xf32, #tpu.memory_space<vmem>>
      tpu.wait_dma2 semaphore(%arg13 : memref<!tpu.dma_semaphore, #tpu.memory_space<semaphore_mem>>) src(%dma_wait3A_57 : memref<32x512xf32, #tpu.memory_space<vmem>>) dst(%dma_wait3A_54 : memref<32x512xf32, #tpu.memory_space<hbm>>)
    } else {
    }
    %rem3A_33 = arith.constant 49 : i32
    %rem3A_34 = arith.constant 2 : i32
    %rem3A_35 = arith.remsi %rem3A_33, %rem3A_34 : i32
    %eq3A_36 = arith.constant 0 : i32
    %eq3A_37 = arith.cmpi eq, %rem3A_35, %eq3A_36 : i32
    %convert_element_type3A_38 = arith.extui %eq3A_37 : i1 to i32
    %cond3A_39 = arith.constant 0 : i32
    %cond3A_40 = arith.cmpi ne, %convert_element_type3A_38, %cond3A_39 : i32
    scf.if %cond3A_40 {
      %dma_wait3A = arith.constant 49 : i32
      %dma_wait3A_46 = arith.constant 0 : i32
      %dma_wait3A_47 = arith.constant 0 : i32
      %dma_wait3A_48 = tpu.memref_slice %arg9[%dma_wait3A_46, %dma_wait3A_47] : memref<64x512xf32, #tpu.memory_space<vmem>> -> memref<32x512xf32, #tpu.memory_space<vmem>>
      %dma_wait3A_49 = arith.constant 0 : i32
      %dma_wait3A_50 = tpu.memref_slice %arg4[%dma_wait3A, %dma_wait3A_49, %mul3A_2] : memref<50x32x16384xf32, #tpu.memory_space<hbm>> -> memref<1x32x512xf32, #tpu.memory_space<hbm>>
      %dma_wait3A_51 = tpu.memref_squeeze %dma_wait3A_50 : memref<1x32x512xf32, #tpu.memory_space<hbm>> -> memref<32x512xf32, #tpu.memory_space<hbm>>
      %dma_wait3A_52 = arith.constant 0 : i32
      %dma_wait3A_53 = tpu.memref_slice %arg4[%dma_wait3A, %dma_wait3A_52, %mul3A_2] : memref<50x32x16384xf32, #tpu.memory_space<hbm>> -> memref<1x32x512xf32, #tpu.memory_space<hbm>>
      %dma_wait3A_54 = tpu.memref_squeeze %dma_wait3A_53 : memref<1x32x512xf32, #tpu.memory_space<hbm>> -> memref<32x512xf32, #tpu.memory_space<hbm>>
      %dma_wait3A_55 = arith.constant 0 : i32
      %dma_wait3A_56 = arith.constant 0 : i32
      %dma_wait3A_57 = tpu.memref_slice %arg9[%dma_wait3A_55, %dma_wait3A_56] : memref<64x512xf32, #tpu.memory_space<vmem>> -> memref<32x512xf32, #tpu.memory_space<vmem>>
      tpu.wait_dma2 semaphore(%arg12 : memref<!tpu.dma_semaphore, #tpu.memory_space<semaphore_mem>>) src(%dma_wait3A_57 : memref<32x512xf32, #tpu.memory_space<vmem>>) dst(%dma_wait3A_54 : memref<32x512xf32, #tpu.memory_space<hbm>>)
    } else {
    }
    %eq3A_41 = arith.constant 1 : i32
    %eq3A_42 = arith.cmpi eq, %rem3A_35, %eq3A_41 : i32
    %convert_element_type3A_43 = arith.extui %eq3A_42 : i1 to i32
    %cond3A_44 = arith.constant 0 : i32
    %cond3A_45 = arith.cmpi ne, %convert_element_type3A_43, %cond3A_44 : i32
    scf.if %cond3A_45 {
      %dma_wait3A = arith.constant 49 : i32
      %dma_wait3A_46 = arith.constant 32 : i32
      %dma_wait3A_47 = arith.constant 0 : i32
      %dma_wait3A_48 = tpu.memref_slice %arg9[%dma_wait3A_46, %dma_wait3A_47] : memref<64x512xf32, #tpu.memory_space<vmem>> -> memref<32x512xf32, #tpu.memory_space<vmem>>
      %dma_wait3A_49 = arith.constant 0 : i32
      %dma_wait3A_50 = tpu.memref_slice %arg4[%dma_wait3A, %dma_wait3A_49, %mul3A_2] : memref<50x32x16384xf32, #tpu.memory_space<hbm>> -> memref<1x32x512xf32, #tpu.memory_space<hbm>>
      %dma_wait3A_51 = tpu.memref_squeeze %dma_wait3A_50 : memref<1x32x512xf32, #tpu.memory_space<hbm>> -> memref<32x512xf32, #tpu.memory_space<hbm>>
      %dma_wait3A_52 = arith.constant 0 : i32
      %dma_wait3A_53 = tpu.memref_slice %arg4[%dma_wait3A, %dma_wait3A_52, %mul3A_2] : memref<50x32x16384xf32, #tpu.memory_space<hbm>> -> memref<1x32x512xf32, #tpu.memory_space<hbm>>
      %dma_wait3A_54 = tpu.memref_squeeze %dma_wait3A_53 : memref<1x32x512xf32, #tpu.memory_space<hbm>> -> memref<32x512xf32, #tpu.memory_space<hbm>>
      %dma_wait3A_55 = arith.constant 32 : i32
      %dma_wait3A_56 = arith.constant 0 : i32
      %dma_wait3A_57 = tpu.memref_slice %arg9[%dma_wait3A_55, %dma_wait3A_56] : memref<64x512xf32, #tpu.memory_space<vmem>> -> memref<32x512xf32, #tpu.memory_space<vmem>>
      tpu.wait_dma2 semaphore(%arg13 : memref<!tpu.dma_semaphore, #tpu.memory_space<semaphore_mem>>) src(%dma_wait3A_57 : memref<32x512xf32, #tpu.memory_space<vmem>>) dst(%dma_wait3A_54 : memref<32x512xf32, #tpu.memory_space<hbm>>)
    } else {
    }
    return
  }
}

</mosaic_0001>

<sc_bundles>
// kernel: kernel.3.cloned.1.call-start
scs
__scs_entry_jumppad:
0x0: {  	(pc) =	sbr.rel $0x88, $3  }
0x1: {  	(tag) =	ssettag $0x0;
	lr =	simm.s32 $0x1  }
0x2: {  	[smem:$0x3F9F] =	sst lr;
	_ =	strace $0xD0000000  }
0x3: {  	_ = 	snop  }
0x4: {  	_ = 	snop  }
0x5: {  	_ = 	snop  }
0x6: {  	_ = 	snop  }
0x7: {  	_ = 	snop  }
__scs_overlays_trampoline_lowered:
0x8: {  	[smem:$0x3FAE] =	sst s0  }
0x9: {  	[smem:$0x3FAF] =	sst s1  }
0xa: {  	[smem:$0x3FB0] =	sst s2  }
0xb: {  	[smem:$0x3FB1] =	sst s3  }
0xc: {  	[smem:$0x3FB2] =	sst s4  }
0xd: {  	[smem:$0x3FB3] =	sst s5  }
0xe: {  	[smem:$0x3FB4] =	sst s6  }
0xf: {  	[smem:$0x3FB5] =	sst s7  }
0x10: {  	[smem:$0x3FB6] =	sst s8  }
0x11: {  	[smem:$0x3FB7] =	sst s9;
	s0 =	simm.s32 @!p0 $0x0  }
0x12: {  	s1 =	sld [smem:$0x3F9D];
	s0 =	simm.s32 @p0 $0x1  }
0x13: {  	[smem:$0x3FB8] =	sst s0;
	s0 =	simm.s32 @!p1 $0x0  }
0x14: {  	s2 =	sld [smem:$0x3F9C];
	s0 =	simm.s32 @p1 $0x1  }
0x15: {  	[smem:$0x3FB9] =	sst s0;
	s0 =	simm.s32 @!p2 $0x0  }
0x16: {  	s3 =	sld [smem:$0x3FDB];
	s0 =	simm.s32 @p2 $0x1  }
0x17: {  	s4 =	simm.s32 $0x1BF5;
	[smem:$0x3FBB] =	sst s0  }
0x18: {  	s0 =	sld [smem:$0x3F9E];
	_ =	swait.ge [sflag:s4], $0x0  }
0x19: {  	s7 =	sld [smem:$0x3F9F]  }
0x1a: {  	s8 =	sadd.s32 $0xFFFFE003, lr  }
0x1b: {  	s9 =	sadd.s32 $0xFFFFFEF7, lr;
	s5 =	simm.s32 $0xFFFFFFFF;
	p2 =	slt.u32 s8, $0xFFFFF086  }
0x1c: {  	p1 =	slt.u32 s9, $0xF7A;
	s5 =	simm.s32 @!p2 $0x0  }
0x1d: {  	s5 =	simm.s32 @p1 $0x1;
	p0 =	seq.s32 s7, s2  }
0x1e: {  	s7 =	smul.u32 @!p0 $0xF7A, s2;
	p2 =	seq.s32 @!p0 s5, $0x0  }
0x1f: {  	s9 =	smul.u32 $0xF7A, s1;
	s8 =	simm.s32 @!p0 $0x1BF5;
	p2 =	por !p2, p0  }
0x20: {  	[sflag:s8] =	ssyncset.s32 @!p0 $0xFFFFF086;
	s6 =	sadd.s32 @!p0 s3, s7;
	s7 =	simm.s32 @!p0 $0x108  }
0x21: {  	s3 =	sadd.s32 s3, s9;
	s6 =	sadd.s32 @!p0 $0x88, s6;
	s7 =	simm.s32 @p2 $0x1082  }
0x22: {  	[simem:s7], [sflag:s8] =	dma.local @!p0 [hbm:s6], $0xF7A  }
0x23: {  	s9 =	sor.u32 $0xD0000000, s2;
	s6 =	simm.s32 $0x108;
	_ =	swait.ge @!p0 [sflag:s8], $0x0  }
0x24: {  	s3 =	sadd.s32 $0x88, s3;
	s6 =	simm.s32 @!p1 $0x1082;
	[sflag:s4] =	ssyncset.s32 $0xFFFFF086  }
0x25: {  	[simem:s6], [sflag:s4] =	dma.local [hbm:s3], $0xF7A  }
0x26: {  	[smem:$0x3F9F] =	sst s1;
	(tag) =	ssettag s2;
	_ =	strace s9  }
0x27: {  	s1 =	sld [smem:$0x3FAF]  }
0x28: {  	s2 =	sld [smem:$0x3FB0]  }
0x29: {  	s4 =	sld [smem:$0x3FB2]  }
0x2a: {  	p0 =	seq.s32 s5, $0x0;
	s5 =	sld [smem:$0x3FB3]  }
0x2b: {  	s6 =	sld [smem:$0x3FB4]  }
0x2c: {  	s7 =	sld [smem:$0x3FB5]  }
0x2d: {  	s3 =	simm.s32 $0x108;
	s8 =	sld [smem:$0x3FB6]  }
0x2e: {  	s3 =	simm.s32 @!p0 $0x1082;
	s9 =	sld [smem:$0x3FB7]  }
0x2f: {  	lr =	sadd.s32 s0, s3;
	s0 =	sld [smem:$0x3FAE]  }
0x30: {  	s3 =	sld [smem:$0x3FB1]  }
0x31: {  	[smem:$0x3FBA] =	sst s10  }
0x32: {  	s10 =	sld [smem:$0x3FB8];
	_ =	sdelay $0x3  }
0x33: {  	p0 =	seq.s32 s10, $0x1;
	s10 =	sld [smem:$0x3FBA];
	_ =	sdelay $0x3  }
0x34: {  	[smem:$0x3FBA] =	sst s10  }
0x35: {  	s10 =	sld [smem:$0x3FB9];
	_ =	sdelay $0x3  }
0x36: {  	p1 =	seq.s32 s10, $0x1;
	s10 =	sld [smem:$0x3FBA];
	_ =	sdelay $0x3  }
0x37: {  	[smem:$0x3FBA] =	sst s10  }
0x38: {  	s10 =	sld [smem:$0x3FBB]  }
0x39: {  	_ = 	snop;
	(pc) =	sbr.ind lr, $3  }
0x3a: {  	_ = 	snop  }
0x3b: {  	_ = 	snop  }
0x3c: {  	p2 =	seq.s32 s10, $0x1;
	s10 =	sld [smem:$0x3FBA]  }
0x3d: {  	_ =	shalt  }
0x3e: {  	_ =	shalt  }
0x3f: {  	_ =	shalt  }
0x40: {  	_ =	shalt  }
0x41: {  	_ =	shalt  }
0x42: {  	_ =	shalt  }
0x43: {  	_ =	shalt  }
0x44: {  	_ =	shalt  }
0x45: {  	_ =	shalt  }
0x46: {  	_ =	shalt  }
0x47: {  	_ =	shalt  }
0x48: {  	_ =	shalt  }
0x49: {  	_ =	shalt  }
0x4a: {  	_ =	shalt  }
0x4b: {  	_ =	shalt  }
0x4c: {  	_ =	shalt  }
0x4d: {  	_ =	shalt  }
0x4e: {  	_ =	shalt  }
0x4f: {  	_ =	shalt  }
0x50: {  	_ =	shalt  }
0x51: {  	_ =	shalt  }
0x52: {  	_ =	shalt  }
0x53: {  	_ =	shalt  }
0x54: {  	_ =	shalt  }
0x55: {  	_ =	shalt  }
0x56: {  	_ =	shalt  }
0x57: {  	_ =	shalt  }
0x58: {  	_ =	shalt  }
0x59: {  	_ =	shalt  }
0x5a: {  	_ =	shalt  }
0x5b: {  	_ =	shalt  }
0x5c: {  	_ =	shalt  }
0x5d: {  	_ =	shalt  }
0x5e: {  	_ =	shalt  }
0x5f: {  	_ =	shalt  }
0x60: {  	_ =	shalt  }
0x61: {  	_ =	shalt  }
0x62: {  	_ =	shalt  }
0x63: {  	_ =	shalt  }
0x64: {  	_ =	shalt  }
0x65: {  	_ =	shalt  }
0x66: {  	_ =	shalt  }
0x67: {  	_ =	shalt  }
0x68: {  	_ =	shalt  }
0x69: {  	_ =	shalt  }
0x6a: {  	_ =	shalt  }
0x6b: {  	_ =	shalt  }
0x6c: {  	_ =	shalt  }
0x6d: {  	_ =	shalt  }
0x6e: {  	_ =	shalt  }
0x6f: {  	_ =	shalt  }
0x70: {  	_ =	shalt  }
0x71: {  	_ =	shalt  }
0x72: {  	_ =	shalt  }
0x73: {  	_ =	shalt  }
0x74: {  	_ =	shalt  }
0x75: {  	_ =	shalt  }
0x76: {  	_ =	shalt  }
0x77: {  	_ =	shalt  }
0x78: {  	_ =	shalt  }
0x79: {  	_ =	shalt  }
0x7a: {  	_ =	shalt  }
0x7b: {  	_ =	shalt  }
0x7c: {  	_ =	shalt  }
0x7d: {  	_ =	shalt  }
0x7e: {  	_ =	shalt  }
0x7f: {  	_ =	shalt  }
0x80: {  	_ =	shalt  }
0x81: {  	_ =	shalt  }
0x82: {  	_ =	shalt  }
0x83: {  	_ =	shalt  }
0x84: {  	_ =	shalt  }
0x85: {  	_ =	shalt  }
0x86: {  	_ =	shalt  }
0x87: {  	_ =	shalt  }
.Lfunc_end0:
.L_simem_size_0:
called_computation_lowered:
.L_overlay_start_0:
0x88: {  	s2 =	sld [smem:$0x3FD9]  }
0x89: {  	s3 =	sld [smem:$0x3FFE];
	_ =	sdelay $0x1  }
0x8a: {  	s1 =	srdreg.scid  }
0x8b: {  	s0 =	sand.u32 $0x1, s1  }
0x8c: {  	s17 =	sshll.u32 s0, $0xA;
	s2 =	sadd.s32 s3, s2  }
0x8d: {  	s2 =	sadd.s32 s2, s17  }
0x8e: {  	[smem:$0x3FC6] =	sst s2  }
0x8f: {  	_ = 	snop  }
0x90: {  	s2 =	sld [smem:$0x3FD0];
	(tm) =	ssettm $0x1  }
0x91: {  	s18 =	sld [smem:$0x3FFB];
	_ =	sdelay $0x3  }
0x92: {  	_ =	strace s18  }
0x93: {  	s3 =	sld [smem:$0x3FFC];
	_ =	sdelay $0x3  }
0x94: {  	_ =	strace s3  }
0x95: {  	s3 =	sld [smem:$0x3FFD];
	_ =	sdelay $0x3  }
0x96: {  	_ =	strace s3  }
0x97: {  	_ =	strace $0x8FFFFFFF  }
0x98: {  	s19 =	sld [smem:$0x3FDB];
	_ =	sdelay $0x1  }
0x99: {  	s4 =	simm.s32 $_scs_section_size  }
0x9a: {  	s5 =	simm.s32 $_size__tile_overlayer_lowered;
	s6 =	simm.s32 $_tile_overlayer_lowered  }
0x9b: {  	s22 =	simm.s32 $0x1BFF;
	s21 =	sshll.u32 s6, $0x1;
	s3 =	sadd.s32 s4, s19  }
0x9c: {  	s7 =	simm.s32 $0x0;
	s20 =	sshll.u32 s5, $0x1;
	s5 =	sadd.s32 s21, s3  }
0x9d: {  	[timem:s7], [sflag:s22] =	dma.local [hbm:s5], s20  }
0x9e: {  	_ =	swait.ge [sflag:s22], s20  }
0x9f: {  	s4 =	ssub.s32 $0x0, s20;
	[sflag:s22] =	ssyncset.done $0x0  }
0xa0: {  	[sflag:s22] =	ssyncadd.s32 s4;
	_ =	sdelay $0x1  }
0xa1: {  	s23 =	simm.s32 $0x1B8B  }
0xa2: {  	_ =	swait.ge [sflag:s23], $0x1  }
0xa3: {  	[sflag:s23] =	ssyncset.done $0x0  }
0xa4: {  	s25 =	simm.s32 $0x1B8E;
	s24 =	sld [smem:$0x3FFE];
	[sflag:s23] =	ssyncadd.s32 $0xFFFFFFFF  }
0xa5: {  	s26 =	simm.s32 $execute0_lowered;
	[smem:$0x3FD2] =	sst s25  }
0xa6: {  	s5 =	sshll.u32 s26, $0x1;
	_ =	strace $0x80000046;
	[dreg:$0x1] =	wrdreg $0xFFFFFFFF  }
0xa7: {  	s28 =	simm.s32 $_size_execute0_lowered;
	s3 =	sadd.s32 s3, s5;
	[dreg:$0x0] =	wrdreg $0x0  }
0xa8: {  	s5 =	sshll.u32 s28, $0x1;
	[dreg:$0x2] =	wrdreg s3  }
0xa9: {  	[dreg:$0x3] =	wrdreg s5  }
0xaa: {  	[dreg:$0x4] =	wrdreg $0xC0  }
0xab: {  	_ =	task [dreg:s7], $0x5FFFF  }
0xac: {  	[dreg:$0x1] =	wrdreg $0xFFFFFFFF  }
0xad: {  	[dreg:$0x0] =	wrdreg $0x60  }
0xae: {  	[dreg:$0x2] =	wrdreg s2  }
0xaf: {  	[dreg:$0x3] =	wrdreg s24  }
0xb0: {  	[dreg:$0x4] =	wrdreg $0x9  }
0xb1: {  	_ =	task.clear_ibuf [dreg:s7], $0x5FFFF;
	_ =	strace $0x90000046  }
0xb2: {  	s29 =	simm.s32 $0x9;
	_ =	strace $0x80000048  }
0xb3: {  	_ =	swait.ge [sflag:s29], $0x1  }
0xb4: {  	[sflag:s29] =	ssyncadd.s32 $0xFFFFFFFF  }
0xb5: {  	_ =	strace $0x90000048  }
0xb6: {  	_ =	sfence  }
0xb7: {  	s30 =	sld [smem:$0x0];
	_ =	sdelay $0x2  }
0xb8: {  	s31 =	sshll.u32 s1, $0xD;
	s1 =	sshrl.u32 s1, $0x2  }
0xb9: {  	s3 =	sand.u32 $0x4000, s31;
	s1 =	sadd.s32 s1, s30  }
0xba: {  	s0 =	sor.u32 s3, s0;
	s1 =	sshll.u32 s1, $0x11  }
0xbb: {  	s0 =	sor.u32 s1, s0  }
0xbc: {  	s0 =	sadd.s32 $0x8F2B, s0  }
0xbd: {  	[sflag:s0] =	ssyncadd.remote.s32 $0x1  }
0xbe: {  	_ =	sfence.sel $0xFFFF  }
0xbf: {  	[dreg:$0x0] =	wrdreg $0xFFFFFFFF;
	(pc) =	sbr.abs _section_cstart, $3  }
0xc0: {  	[dreg:$0x1] =	wrdreg $0xFFFFFFFF  }
0xc1: {  	_ =	task.clear_ibuf [dreg:s7], $0x2FFFF;
	_ =	strace $0x9FFFFFFF  }
0xc2: {  	(tm) =	ssettm $0x7FFFFFFF  }
0xc3: {  	_ =	shalt  }
tec
execute0_lowered:
.L_overlay_start_1:
0x0: {  	(tag) =	ssettag $0x1  }
0x1: {  	s0 =	rddreg [dreg:$0x0]  }
0x2: {  	s1 =	rddreg [dreg:$0x1]  }
0x3: {  	s2 =	simm.s32 $0x0;
	s3 =	srdreg.scid;
	s4 =	stileid.u32  }
0x4: {  	[smem:$0x7FF] =	sst s2;
	s3 =	sand.u32 $0x1, s3;
	s26 =	sadd.s32 $0xF42A00, s1  }
0x5: {  	s4 =	sshll.u32 s4, $0x1;
	s1 =	sadd.s32 $0x600, s1;
	_ =	strace $0x80000047  }
0x6: {  	s5 =	ssub.s32 $0x2, s3;
	s3 =	sor.u32 s3, s4;
	[dreg:$0x4] =	wrdreg s26  }
0x7: {  	s31 =	simm.s32 $0x0;
	[dreg:$0x5] =	wrdreg s1;
	s6 =	smul.u32 $0xC80, s3  }
0x8: {  	[dreg:$0x9] =	wrdreg s31;
	s28 =	sshrl.u32 s5, $0x1;
	s3 =	sshll.u32 s3, $0x9  }
0x9: {  	s29 =	ssub.s32 s5, s28;
	[dreg:$0x6] =	wrdreg s3;
	s0 =	sadd.s32 s0, s6  }
0xa: {  	s8 =	simm.s32 $0x6400;
	v0 =	vlaneseq.u32;
	s30 =	smax.u32 s29, $0x1;
	[dreg:$0x7] =	wrdreg s0  }
0xb: {  	s11 =	simm.s32 $0x6800;
	s12 =	simm.s32 $0xE800;
	v1 =	vor.u32 $0xFFFFFFF8, v0;
	v2 =	vmul.u32 $0x20, v0;
	[dreg:$0x8] =	wrdreg s30  }
.LBB2_1:
0xc: {  	s1 =	simm.s32 $0x0  }
0xd: {  	v6 =	vor.u32 s1, v0  }
0xe: {  	v4 =	vmul.u32 $0x32, v6  }
0xf: {  	s0 =	rddreg [dreg:$0x7];
	s30 =	simm.s32 $0x5  }
0x10: {  	[tilespmem:s1], [sflag:$0x5] =	stream.linear.gather [hbm4b:s0+s1], $0x6400, $0x38;
	[tilespmem:$0x16800] =	vst v63  }
0x11: {  	s31 =	simm.s32 $0x10;
	_ =	swait.ge [sflag:s30], $0x6400  }
0x12: {  	v3 =	vor.u32 s31, v0;
	[sflag:s30] =	ssyncset.done $0x0  }
0x13: {  	s1 =	simm.s32 $0x0;
	v5 =	vmul.u32 $0x32, v3;
	[sflag:s30] =	ssyncadd.s32 $0xFFFF9C00  }
0x14: {  	s0 =	simm.s32 $0x20;
	v6 =	vand.u32 v1, v6;
	v4 =	vld.idx.msk [tilespmem:v4+s1+$0x0], $0xffff  }
.LBB2_2:
0x15: {  	p0 =	sne.s32 s0, $0x1F0  }
.Ltmp0:
0x16: {  	_ = 	snop;
	(pc) =	sbr.rel @p0 .LBB2_2-.Ltmp0, $4  }
0x17: {  	_ = 	snop  }
0x18: {  	v7 =	vor.u32 s0, v0;
	s0 =	sadd.s32 $0x10, s0  }
0x19: {  	[tilespmem:v6+s8+$0x0] =	vst.idx.msk $0xffff, v4;
	v4 =	vld.idx.msk [tilespmem:v5+s1+$0x0], $0xffff;
	v5 =	vmul.u32 $0x32, v7  }
0x1a: {  	v6 =	vand.u32 v1, v3;
	v3 =	vmov v7  }
0x1b: {  	_ =	sdelay $0x3  }
0x1c: {  	v5 =	vld.idx.msk [tilespmem:v5+s1+$0x0], $0xffff;
	v3 =	vand.u32 v1, v3;
	_ =	sdelay $0x3  }
0x1d: {  	[tilespmem:v6+s8+$0x0] =	vst.idx.msk $0xffff, v4  }
0x1e: {  	s31 =	simm.s32 $0x200;
	[tilespmem:v3+s8+$0x0] =	vst.idx.msk $0xffff, v5  }
0x1f: {  	s5 =	simm.s32 $0x0;
	p0 =	por $0x0, $0x0;
	s0 =	rddreg [dreg:$0x4]  }
0x20: {  	[tilespmem:s11], [sflag:$0x1] =	stream.indirect.gather [hbm4b:s0+s31], $0x20, s8, s31, $0xb8;
	[tilespmem:$0x16800] =	vst v63  }
.LBB2_4:
0x21: {  	p1 =	seq.s32 s5, $0x31  }
.Ltmp1:
0x22: {  	_ = 	snop;
	(pc) =	sbr.rel @!p1 .LBB2_5-.Ltmp1, $2  }
0x23: {  	_ =	sdelay $0x2  }
0x24: {  	s6 =	sand.u32 $0x1, s5;
	s4 =	sadd.s32 $0x1, s5  }
.LBB2_14:
0x25: {  	s0 =	simm.s32 $0x4  }
.LBB2_15:
.Ltmp2:
0x26: {  	(pc) =	sbr.rel .LBB2_16-.Ltmp2, $4  }
0x27: {  	_ = 	snop  }
0x28: {  	_ =	swait.ge [sflag:s0], $0x4000  }
0x29: {  	[sflag:s0] =	ssyncset.done $0x0  }
0x2a: {  	[sflag:s0] =	ssyncadd.s32 $0xFFFFC000  }
.LBB2_5:
0x2b: {  	s0 =	sand.u32 $0x1, s4  }
0x2c: {  	s30 =	simm.s32 $0x0;
	p1 =	seq.s32 s0, $0x1  }
.Ltmp3:
0x2d: {  	v7 =	vor.u32 s30, v0;
	(pc) =	sbr.rel @!p1 .LBB2_6-.Ltmp3, $4  }
0x2e: {  	v4 =	vmul.u32 $0x32, v7  }
0x2f: {  	v3 =	vmov s4;
	s31 =	simm.s32 $0x10  }
0x30: {  	v5 =	vadd.s32 v3, v4;
	v4 =	vor.u32 s31, v0  }
0x31: {  	s7 =	simm.s32 $0x6600;
	s1 =	simm.s32 $0x0;
	s0 =	simm.s32 $0x20;
	v6 =	vmul.u32 $0x32, v4  }
0x32: {  	_ =	sdelay $0x3  }
0x33: {  	v5 =	vld.idx.msk [tilespmem:v5+s1+$0x0], $0xffff;
	v7 =	vand.u32 v1, v7;
	v6 =	vadd.s32 v3, v6  }
.LBB2_10:
0x34: {  	p1 =	sne.s32 s0, $0x1F0  }
.Ltmp4:
0x35: {  	_ = 	snop;
	(pc) =	sbr.rel @p1 .LBB2_10-.Ltmp4, $4  }
0x36: {  	v8 =	vor.u32 s0, v0  }
0x37: {  	v9 =	vmul.u32 $0x32, v8  }
0x38: {  	[tilespmem:v7+s7+$0x0] =	vst.idx.msk $0xffff, v5  }
0x39: {  	s0 =	sadd.s32 $0x10, s0;
	v7 =	vand.u32 v1, v4;
	v4 =	vmov v8;
	v5 =	vld.idx.msk [tilespmem:v6+s1+$0x0], $0xffff;
	v6 =	vadd.s32 v3, v9  }
0x3a: {  	_ =	sdelay $0x3  }
0x3b: {  	v3 =	vld.idx.msk [tilespmem:v6+s1+$0x0], $0xffff;
	v4 =	vand.u32 v1, v4;
	_ =	sdelay $0x2  }
.Ltmp5:
0x3c: {  	_ = 	snop;
	(pc) =	sbr.rel .LBB2_12-.Ltmp5, $4  }
0x3d: {  	[tilespmem:v7+s7+$0x0] =	vst.idx.msk $0xffff, v5  }
0x3e: {  	[tilespmem:v4+s7+$0x0] =	vst.idx.msk $0xffff, v3  }
0x3f: {  	s31 =	simm.s32 $0x200;
	s3 =	simm.s32 $0xA800;
	s0 =	rddreg [dreg:$0x4]  }
0x40: {  	[tilespmem:s3], [sflag:$0x2] =	stream.indirect.gather [hbm4b:s0+s31], $0x20, s7, s31, $0xb8;
	[tilespmem:$0x16800] =	vst v63  }
.LBB2_6:
0x41: {  	_ =	sdelay $0x3  }
0x42: {  	v5 =	vld.idx.msk [tilespmem:v5+s1+$0x0], $0xffff;
	v7 =	vand.u32 v1, v7;
	v6 =	vadd.s32 v3, v6  }
.LBB2_7:
0x43: {  	p1 =	sne.s32 s0, $0x1F0  }
.Ltmp6:
0x44: {  	_ = 	snop;
	(pc) =	sbr.rel @p1 .LBB2_7-.Ltmp6, $4  }
0x45: {  	v8 =	vor.u32 s0, v0  }
0x46: {  	v9 =	vmul.u32 $0x32, v8  }
0x47: {  	[tilespmem:v7+s8+$0x0] =	vst.idx.msk $0xffff, v5  }
0x48: {  	s0 =	sadd.s32 $0x10, s0;
	v7 =	vand.u32 v1, v4;
	v4 =	vmov v8;
	v5 =	vld.idx.msk [tilespmem:v6+s1+$0x0], $0xffff;
	v6 =	vadd.s32 v3, v9  }
0x49: {  	_ =	sdelay $0x3  }
0x4a: {  	v3 =	vld.idx.msk [tilespmem:v6+s1+$0x0], $0xffff;
	v4 =	vand.u32 v1, v4;
	_ =	sdelay $0x3  }
0x4b: {  	[tilespmem:v7+s8+$0x0] =	vst.idx.msk $0xffff, v5  }
0x4c: {  	[tilespmem:v4+s8+$0x0] =	vst.idx.msk $0xffff, v3  }
0x4d: {  	s31 =	simm.s32 $0x200;
	s0 =	rddreg [dreg:$0x4]  }
0x4e: {  	[tilespmem:s11], [sflag:$0x1] =	stream.indirect.gather [hbm4b:s0+s31], $0x20, s8, s31, $0xb8;
	[tilespmem:$0x16800] =	vst v63  }
.LBB2_12:
0x4f: {  	p1 =	slt.u32 s5, $0x2  }
.Ltmp7:
0x50: {  	_ = 	snop;
	(pc) =	sbr.rel @p1 .LBB2_16-.Ltmp7, $1  }
0x51: {  	_ =	sdelay $0x3  }
0x52: {  	p1 =	seq.s32 s6, $0x0  }
.Ltmp8:
0x53: {  	_ = 	snop;
	(pc) =	sbr.rel @p1 .LBB2_15-.Ltmp8, $4  }
.Ltmp9:
0x54: {  	_ = 	snop;
	(pc) =	sbr.rel @!p1 .LBB2_14-.Ltmp9, $4  }
0x55: {  	_ = 	snop  }
0x56: {  	_ = 	snop  }
0x57: {  	s0 =	simm.s32 $0x3  }
0x58: {  	_ = 	snop  }
.LBB2_16:
0x59: {  	[dreg:$0xb] =	wrdreg s5;
	s0 =	simm.s32 $0x1  }
0x5a: {  	[dreg:$0xa] =	wrdreg s4;
	s0 =	simm.s32 @!p0 $0x0  }
0x5b: {  	p1 =	seq.s32 s6, $0x0;
	s1 =	simm.s32 $0x1;
	s0 =	sshll.u32 s0, $0x9  }
0x5c: {  	s1 =	simm.s32 @!p1 $0x2;
	[dreg:$0x3] =	wrdreg s0  }
0x5d: {  	_ =	swait.ge [sflag:s1], $0x4000  }
0x5e: {  	[sflag:s1] =	ssyncset.done $0x0  }
0x5f: {  	[dreg:$0xc] =	wrdreg s6;
	[sflag:s1] =	ssyncadd.s32 $0xFFFFC000;
	s1 =	sshll.u32 s6, $0xE  }
0x60: {  	s23 =	sor.u32 $0x200, s1;
	[smem:$0x7FC] =	sst s1  }
0x61: {  	s24 =	sor.u32 $0x400, s1;
	[dreg:$0xd] =	wrdreg s23  }
0x62: {  	s25 =	sor.u32 $0x600, s1;
	[dreg:$0xe] =	wrdreg s24  }
0x63: {  	s26 =	sor.u32 $0x800, s1;
	[dreg:$0xf] =	wrdreg s25  }
0x64: {  	s28 =	sor.u32 $0xA00, s1;
	[dreg:$0x10] =	wrdreg s26  }
0x65: {  	s31 =	sor.u32 $0xC00, s1;
	[dreg:$0x11] =	wrdreg s28  }
0x66: {  	s2 =	sor.u32 $0xE00, s1;
	[dreg:$0x12] =	wrdreg s31  }
0x67: {  	s3 =	sor.u32 $0x1000, s1;
	[dreg:$0x13] =	wrdreg s2  }
0x68: {  	s4 =	sor.u32 $0x1200, s1;
	[dreg:$0x14] =	wrdreg s3  }
0x69: {  	s5 =	sor.u32 $0x1400, s1;
	[dreg:$0x15] =	wrdreg s4  }
0x6a: {  	s6 =	sor.u32 $0x1600, s1;
	[dreg:$0x16] =	wrdreg s5  }
0x6b: {  	s7 =	sor.u32 $0x1800, s1;
	[dreg:$0x17] =	wrdreg s6  }
0x6c: {  	s8 =	sor.u32 $0x1A00, s1;
	[dreg:$0x18] =	wrdreg s7  }
0x6d: {  	s9 =	sor.u32 $0x1C00, s1;
	[dreg:$0x19] =	wrdreg s8  }
0x6e: {  	s10 =	sor.u32 $0x1E00, s1;
	[dreg:$0x1a] =	wrdreg s9  }
0x6f: {  	s13 =	sor.u32 $0x2000, s1;
	[dreg:$0x1b] =	wrdreg s10  }
0x70: {  	s14 =	sor.u32 $0x2200, s1;
	[dreg:$0x1c] =	wrdreg s13  }
0x71: {  	s15 =	sor.u32 $0x2400, s1;
	[dreg:$0x1d] =	wrdreg s14  }
0x72: {  	s16 =	sor.u32 $0x2600, s1;
	[dreg:$0x1e] =	wrdreg s15  }
0x73: {  	s17 =	sor.u32 $0x2800, s1;
	[dreg:$0x1f] =	wrdreg s16  }
0x74: {  	s18 =	sor.u32 $0x2A00, s1;
	[smem:$0x7F1] =	sst s17  }
0x75: {  	s19 =	sor.u32 $0x2C00, s1;
	[smem:$0x7F2] =	sst s18  }
0x76: {  	s20 =	sor.u32 $0x2E00, s1;
	[smem:$0x7F3] =	sst s19  }
0x77: {  	s21 =	sor.u32 $0x3000, s1;
	[smem:$0x7F4] =	sst s20  }
0x78: {  	s22 =	sor.u32 $0x3200, s1;
	[smem:$0x7F5] =	sst s21  }
0x79: {  	[smem:$0x7F6] =	sst s22;
	s23 =	sor.u32 $0x3400, s1  }
0x7a: {  	s24 =	sor.u32 $0x3600, s1;
	[smem:$0x7F7] =	sst s23  }
0x7b: {  	s25 =	sor.u32 $0x3800, s1;
	[smem:$0x7F8] =	sst s24  }
0x7c: {  	s26 =	sor.u32 $0x3A00, s1;
	[smem:$0x7F9] =	sst s25  }
0x7d: {  	s28 =	sor.u32 $0x3C00, s1;
	[smem:$0x7FA] =	sst s26  }
0x7e: {  	s31 =	sor.u32 $0x3E00, s1;
	[smem:$0x7FB] =	sst s28  }
0x7f: {  	s29 =	simm.s32 $0xFFFFFFC0;
	s30 =	simm.s32 $0x0;
	[smem:$0x7FD] =	sst s31  }
.LBB2_17:
0x80: {  	s31 =	rddreg [dreg:$0x3]  }
0x81: {  	s31 =	sadd.s32 s30, s31  }
0x82: {  	v3 =	vmov s31  }
0x83: {  	s9 =	sld [smem:$0x7FC];
	v3 =	vshll.u32 v3, $0x5  }
0x84: {  	s3 =	rddreg [dreg:$0xd];
	v3 =	vor.u32 v2, v3  }
0x85: {  	s6 =	rddreg [dreg:$0xe];
	v4 =	vor.u32 $0x1, v3  }
0x86: {  	s7 =	rddreg [dreg:$0xf];
	v5 =	vor.u32 $0x2, v3  }
0x87: {  	s13 =	rddreg [dreg:$0x10];
	v6 =	vor.u32 $0x3, v3  }
0x88: {  	s4 =	rddreg [dreg:$0x11];
	s0 =	sor.u32 s9, s30;
	v7 =	vor.u32 $0x4, v3  }
0x89: {  	s14 =	rddreg [dreg:$0x12];
	s26 =	sor.u32 s3, s30;
	v9 =	vor.u32 s0, v0;
	v10 =	vor.u32 $0x5, v3;
	v8 =	vld.idx.msk [tilespmem:v3+s11+$0x0], $0xffff  }
0x8a: {  	s16 =	rddreg [dreg:$0x13];
	s28 =	sor.u32 s6, s30;
	v11 =	vor.u32 s26, v0;
	v12 =	vor.u32 $0x6, v3;
	v4 =	vld.idx.msk [tilespmem:v4+s11+$0x0], $0xffff  }
0x8b: {  	s17 =	rddreg [dreg:$0x14];
	s1 =	sor.u32 s7, s30;
	v13 =	vor.u32 s28, v0;
	v14 =	vor.u32 $0x7, v3;
	v5 =	vld.idx.msk [tilespmem:v5+s11+$0x0], $0xffff  }
0x8c: {  	s15 =	rddreg [dreg:$0x15];
	s2 =	sor.u32 s13, s30;
	v15 =	vor.u32 s1, v0;
	v16 =	vor.u32 $0x8, v3;
	v6 =	vld.idx.msk [tilespmem:v6+s11+$0x0], $0xffff  }
0x8d: {  	s18 =	rddreg [dreg:$0x16];
	v17 =	vor.u32 s2, v0;
	s0 =	sor.u32 s4, s30;
	v18 =	vor.u32 $0x9, v3;
	v7 =	vld.idx.msk [tilespmem:v7+s11+$0x0], $0xffff  }
0x8e: {  	s19 =	rddreg [dreg:$0x17];
	s5 =	sor.u32 s14, s30;
	v25 =	vor.u32 s0, v0;
	v26 =	vor.u32 $0xA, v3;
	v24 =	vld.idx.msk [tilespmem:v10+s11+$0x0], $0xffff;
	[tilespmem:v9+s12+$0x0] =	vst.idx.msk $0xffff, v8  }
0x8f: {  	s20 =	rddreg [dreg:$0x18];
	s8 =	sor.u32 s16, s30;
	v28 =	vor.u32 s5, v0;
	v29 =	vor.u32 $0xB, v3;
	v27 =	vld.idx.msk [tilespmem:v12+s11+$0x0], $0xffff;
	[tilespmem:v11+s12+$0x0] =	vst.idx.msk $0xffff, v4  }
0x90: {  	s10 =	sor.u32 s17, s30;
	v31 =	vor.u32 s8, v0;
	s8 =	sld [smem:$0x7F5];
	v32 =	vor.u32 $0xC, v3;
	v30 =	vld.idx.msk [tilespmem:v14+s11+$0x0], $0xffff;
	[tilespmem:v13+s12+$0x0] =	vst.idx.msk $0xffff, v5  }
0x91: {  	v34 =	vor.u32 s10, v0;
	s10 =	sld [smem:$0x7F6];
	s0 =	sor.u32 s15, s30;
	v35 =	vor.u32 $0xD, v3;
	v33 =	vld.idx.msk [tilespmem:v16+s11+$0x0], $0xffff;
	[tilespmem:v15+s12+$0x0] =	vst.idx.msk $0xffff, v6  }
0x92: {  	v38 =	vor.u32 $0xE, v3;
	s15 =	sld [smem:$0x7F3];
	v37 =	vor.u32 s0, v0;
	s0 =	sor.u32 s18, s30;
	v36 =	vld.idx.msk [tilespmem:v18+s11+$0x0], $0xffff;
	[tilespmem:v17+s12+$0x0] =	vst.idx.msk $0xffff, v7  }
0x93: {  	v41 =	vor.u32 $0xF, v3;
	s18 =	rddreg [dreg:$0x19];
	v40 =	vor.u32 s0, v0;
	s0 =	sor.u32 s19, s30;
	v39 =	vld.idx.msk [tilespmem:v26+s11+$0x0], $0xffff;
	[tilespmem:v25+s12+$0x0] =	vst.idx.msk $0xffff, v24  }
0x94: {  	v47 =	vor.u32 $0x11, v3;
	s19 =	rddreg [dreg:$0x1b];
	v43 =	vor.u32 s0, v0;
	s0 =	sor.u32 s20, s30;
	v42 =	vld.idx.msk [tilespmem:v29+s11+$0x0], $0xffff;
	[tilespmem:v28+s12+$0x0] =	vst.idx.msk $0xffff, v27  }
0x95: {  	v44 =	vor.u32 $0x10, v3;
	s21 =	sor.u32 s18, s30;
	s20 =	rddreg [dreg:$0x1a];
	s23 =	sor.u32 s19, s30;
	v46 =	vor.u32 s0, v0;
	v45 =	vld.idx.msk [tilespmem:v32+s11+$0x0], $0xffff;
	[tilespmem:v31+s12+$0x0] =	vst.idx.msk $0xffff, v30  }
0x96: {  	v50 =	vor.u32 $0x12, v3;
	v49 =	vor.u32 s21, v0;
	s22 =	sor.u32 s20, s30;
	v55 =	vor.u32 s23, v0;
	s23 =	rddreg [dreg:$0x1d];
	v48 =	vld.idx.msk [tilespmem:v35+s11+$0x0], $0xffff;
	[tilespmem:v34+s12+$0x0] =	vst.idx.msk $0xffff, v33  }
0x97: {  	v53 =	vor.u32 $0x13, v3;
	v51 =	vld.idx.msk [tilespmem:v38+s11+$0x0], $0xffff;
	v52 =	vor.u32 s22, v0;
	s22 =	rddreg [dreg:$0x1c];
	[tilespmem:v37+s12+$0x0] =	vst.idx.msk $0xffff, v36  }
0x98: {  	v62 =	vor.u32 $0x16, v3;
	s21 =	sld [smem:$0x7F4];
	v54 =	vld.idx.msk [tilespmem:v41+s11+$0x0], $0xffff;
	s25 =	sor.u32 s23, s30;
	s24 =	sor.u32 s22, s30;
	[tilespmem:v40+s12+$0x0] =	vst.idx.msk $0xffff, v39  }
0x99: {  	v22 =	vor.u32 $0x17, v3;
	v60 =	vld.idx.msk [tilespmem:v47+s11+$0x0], $0xffff;
	v61 =	vor.u32 s25, v0;
	v58 =	vor.u32 s24, v0;
	s24 =	rddreg [dreg:$0x1e];
	[tilespmem:v43+s12+$0x0] =	vst.idx.msk $0xffff, v42  }
0x9a: {  	v56 =	vor.u32 $0x14, v3;
	v57 =	vld.idx.msk [tilespmem:v44+s11+$0x0], $0xffff;
	s25 =	rddreg [dreg:$0x1f];
	s26 =	sor.u32 s24, s30;
	[tilespmem:v46+s12+$0x0] =	vst.idx.msk $0xffff, v45  }
0x9b: {  	v59 =	vor.u32 $0x15, v3;
	v63 =	vld.idx.msk [tilespmem:v50+s11+$0x0], $0xffff;
	s28 =	sor.u32 s25, s30;
	v21 =	vor.u32 s26, v0;
	s26 =	sld [smem:$0x7F1];
	[tilespmem:v49+s12+$0x0] =	vst.idx.msk $0xffff, v48  }
0x9c: {  	s4 =	sor.u32 s15, s30;
	v23 =	vld.idx.msk [tilespmem:v53+s11+$0x0], $0xffff;
	[tilespmem:v52+s12+$0x0] =	vst.idx.msk $0xffff, v51;
	v24 =	vor.u32 s28, v0;
	v25 =	vor.u32 $0x18, v3;
	s28 =	sld [smem:$0x7F2]  }
0x9d: {  	s0 =	sor.u32 s8, s30;
	s8 =	sld [smem:$0x7F8];
	v32 =	vld.idx.msk [tilespmem:v62+s11+$0x0], $0xffff;
	s5 =	sor.u32 s21, s30;
	[tilespmem:v55+s12+$0x0] =	vst.idx.msk $0xffff, v54;
	v28 =	vor.u32 $0x19, v3;
	v33 =	vor.u32 s4, v0  }
0x9e: {  	s31 =	sadd.s32 $0x10, s31;
	v35 =	vld.idx.msk [tilespmem:v22+s11+$0x0], $0xffff;
	v31 =	vor.u32 $0x1A, v3;
	v36 =	vor.u32 s5, v0;
	s5 =	sld [smem:$0x7F9];
	[tilespmem:v61+s12+$0x0] =	vst.idx.msk $0xffff, v60;
	s1 =	sor.u32 s26, s30  }
0x9f: {  	v26 =	vld.idx.msk [tilespmem:v56+s11+$0x0], $0xffff;
	v34 =	vor.u32 $0x1B, v3;
	v39 =	vor.u32 s0, v0;
	s0 =	sor.u32 s10, s30;
	s10 =	sld [smem:$0x7F7];
	[tilespmem:v58+s12+$0x0] =	vst.idx.msk $0xffff, v57;
	v27 =	vor.u32 s1, v0;
	s2 =	sor.u32 s28, s30  }
0xa0: {  	v19 =	vmov s31;
	v29 =	vld.idx.msk [tilespmem:v59+s11+$0x0], $0xffff;
	v37 =	vor.u32 $0x1C, v3;
	v30 =	vor.u32 s2, v0;
	[tilespmem:v21+s12+$0x0] =	vst.idx.msk $0xffff, v63  }
0xa1: {  	v40 =	vor.u32 $0x1D, v3;
	v43 =	vor.u32 $0x1E, v3;
	v46 =	vor.u32 $0x1F, v3;
	s4 =	sor.u32 s5, s30;
	[tilespmem:v24+s12+$0x0] =	vst.idx.msk $0xffff, v23;
	v38 =	vld.idx.msk [tilespmem:v25+s11+$0x0], $0xffff  }
0xa2: {  	v3 =	vshll.u32 v19, $0x5;
	v42 =	vor.u32 s0, v0;
	s1 =	sor.u32 s10, s30;
	s2 =	sor.u32 s8, s30;
	v50 =	vor.u32 s4, v0;
	s4 =	sld [smem:$0x7FA];
	v41 =	vld.idx.msk [tilespmem:v28+s11+$0x0], $0xffff;
	[tilespmem:v33+s12+$0x0] =	vst.idx.msk $0xffff, v32  }
0xa3: {  	v3 =	vor.u32 v2, v3;
	v45 =	vor.u32 s1, v0;
	v44 =	vld.idx.msk [tilespmem:v31+s11+$0x0], $0xffff;
	v48 =	vor.u32 s2, v0;
	[tilespmem:v36+s12+$0x0] =	vst.idx.msk $0xffff, v35;
	s2 =	sld [smem:$0x7FB]  }
0xa4: {  	v51 =	vor.u32 $0x1, v3;
	v47 =	vld.idx.msk [tilespmem:v34+s11+$0x0], $0xffff;
	[tilespmem:v27+s12+$0x0] =	vst.idx.msk $0xffff, v26  }
0xa5: {  	v54 =	vor.u32 $0x2, v3;
	v49 =	vld.idx.msk [tilespmem:v37+s11+$0x0], $0xffff;
	s31 =	sor.u32 s4, s30;
	[tilespmem:v30+s12+$0x0] =	vst.idx.msk $0xffff, v29  }
0xa6: {  	v60 =	vor.u32 $0x4, v3;
	v52 =	vld.idx.msk [tilespmem:v40+s11+$0x0], $0xffff;
	v53 =	vor.u32 s31, v0;
	s1 =	sor.u32 s2, s30;
	s31 =	sadd.s32 $0x10, s30;
	[tilespmem:v39+s12+$0x0] =	vst.idx.msk $0xffff, v38  }
0xa7: {  	v57 =	vor.u32 $0x3, v3;
	v55 =	vld.idx.msk [tilespmem:v43+s11+$0x0], $0xffff;
	v56 =	vor.u32 s1, v0;
	s9 =	sor.u32 s9, s31;
	[tilespmem:v42+s12+$0x0] =	vst.idx.msk $0xffff, v41  }
0xa8: {  	v23 =	vor.u32 $0x6, v3;
	v61 =	vld.idx.msk [tilespmem:v3+s11+$0x0], $0xffff;
	s3 =	sor.u32 s3, s31;
	[tilespmem:v45+s12+$0x0] =	vst.idx.msk $0xffff, v44;
	v62 =	vor.u32 s9, v0  }
0xa9: {  	v21 =	vld.idx.msk [tilespmem:v51+s11+$0x0], $0xffff;
	s6 =	sor.u32 s6, s31;
	[tilespmem:v48+s12+$0x0] =	vst.idx.msk $0xffff, v47;
	v22 =	vor.u32 s3, v0  }
0xaa: {  	v24 =	vld.idx.msk [tilespmem:v54+s11+$0x0], $0xffff;
	v26 =	vor.u32 $0x7, v3;
	s1 =	sld [smem:$0x7FD];
	s13 =	sor.u32 s13, s31;
	[tilespmem:v50+s12+$0x0] =	vst.idx.msk $0xffff, v49;
	v25 =	vor.u32 s6, v0  }
0xab: {  	v63 =	vor.u32 $0x5, v3;
	v30 =	vld.idx.msk [tilespmem:v60+s11+$0x0], $0xffff;
	s9 =	sor.u32 s7, s31;
	v31 =	vor.u32 s13, v0;
	[tilespmem:v53+s12+$0x0] =	vst.idx.msk $0xffff, v52  }
0xac: {  	v27 =	vld.idx.msk [tilespmem:v57+s11+$0x0], $0xffff;
	v29 =	vor.u32 $0x8, v3;
	s6 =	sor.u32 s14, s31;
	v28 =	vor.u32 s9, v0;
	[tilespmem:v56+s12+$0x0] =	vst.idx.msk $0xffff, v55  }
0xad: {  	v32 =	vor.u32 $0x9, v3;
	v36 =	vld.idx.msk [tilespmem:v23+s11+$0x0], $0xffff;
	v37 =	vor.u32 s6, v0;
	s0 =	sor.u32 s1, s30;
	[tilespmem:v62+s12+$0x0] =	vst.idx.msk $0xffff, v61  }
0xae: {  	v58 =	vld.idx.msk [tilespmem:v46+s11+$0x0], $0xffff;
	s3 =	rddreg [dreg:$0x11];
	s7 =	sor.u32 s16, s31;
	v47 =	vor.u32 $0xE, v3;
	v59 =	vor.u32 s0, v0;
	[tilespmem:v22+s12+$0x0] =	vst.idx.msk $0xffff, v21  }
0xaf: {  	v50 =	vor.u32 $0xF, v3;
	v40 =	vor.u32 s7, v0;
	s0 =	sor.u32 s3, s31;
	v39 =	vld.idx.msk [tilespmem:v26+s11+$0x0], $0xffff;
	[tilespmem:v25+s12+$0x0] =	vst.idx.msk $0xffff, v24  }
0xb0: {  	v35 =	vor.u32 $0xA, v3;
	v33 =	vld.idx.msk [tilespmem:v63+s11+$0x0], $0xffff;
	s13 =	rddreg [dreg:$0x15];
	s9 =	sor.u32 s17, s31;
	v34 =	vor.u32 s0, v0;
	[tilespmem:v31+s12+$0x0] =	vst.idx.msk $0xffff, v30  }
0xb1: {  	v38 =	vor.u32 $0xB, v3;
	v43 =	vor.u32 s9, v0;
	v42 =	vld.idx.msk [tilespmem:v29+s11+$0x0], $0xffff;
	s0 =	sor.u32 s13, s31;
	[tilespmem:v28+s12+$0x0] =	vst.idx.msk $0xffff, v27  }
0xb2: {  	v41 =	vor.u32 $0xC, v3;
	v45 =	vld.idx.msk [tilespmem:v32+s11+$0x0], $0xffff;
	s6 =	sor.u32 s20, s31;
	v46 =	vor.u32 s0, v0;
	[tilespmem:v37+s12+$0x0] =	vst.idx.msk $0xffff, v36  }
0xb3: {  	v44 =	vor.u32 $0xD, v3;
	s14 =	rddreg [dreg:$0x16];
	s7 =	sor.u32 s19, s31;
	v60 =	vld.idx.msk [tilespmem:v47+s11+$0x0], $0xffff;
	v61 =	vor.u32 s6, v0;
	[tilespmem:v59+s12+$0x0] =	vst.idx.msk $0xffff, v58  }
0xb4: {  	s16 =	rddreg [dreg:$0x17];
	v53 =	vor.u32 $0x10, v3;
	s0 =	sor.u32 s14, s31;
	v63 =	vld.idx.msk [tilespmem:v50+s11+$0x0], $0xffff;
	v21 =	vor.u32 s7, v0;
	[tilespmem:v40+s12+$0x0] =	vst.idx.msk $0xffff, v39  }
0xb5: {  	v48 =	vld.idx.msk [tilespmem:v35+s11+$0x0], $0xffff;
	s17 =	rddreg [dreg:$0x18];
	v56 =	vor.u32 $0x11, v3;
	v49 =	vor.u32 s0, v0;
	s0 =	sor.u32 s16, s31;
	[tilespmem:v34+s12+$0x0] =	vst.idx.msk $0xffff, v33  }
0xb6: {  	v51 =	vld.idx.msk [tilespmem:v38+s11+$0x0], $0xffff;
	v62 =	vor.u32 $0x13, v3;
	v52 =	vor.u32 s0, v0;
	s0 =	sor.u32 s17, s31;
	[tilespmem:v43+s12+$0x0] =	vst.idx.msk $0xffff, v42  }
0xb7: {  	s3 =	sor.u32 s18, s31;
	v54 =	vld.idx.msk [tilespmem:v41+s11+$0x0], $0xffff;
	v22 =	vor.u32 $0x14, v3;
	v55 =	vor.u32 s0, v0;
	[tilespmem:v46+s12+$0x0] =	vst.idx.msk $0xffff, v45  }
0xb8: {  	s9 =	sor.u32 s22, s31;
	v57 =	vld.idx.msk [tilespmem:v44+s11+$0x0], $0xffff;
	v25 =	vor.u32 $0x15, v3;
	v58 =	vor.u32 s3, v0;
	[tilespmem:v61+s12+$0x0] =	vst.idx.msk $0xffff, v60  }
0xb9: {  	s13 =	sor.u32 s23, s31;
	v24 =	vor.u32 s9, v0;
	v31 =	vor.u32 $0x17, v3;
	v23 =	vld.idx.msk [tilespmem:v53+s11+$0x0], $0xffff;
	[tilespmem:v21+s12+$0x0] =	vst.idx.msk $0xffff, v63  }
0xba: {  	v27 =	vor.u32 s13, v0;
	v28 =	vor.u32 $0x16, v3;
	s16 =	sor.u32 s25, s31;
	v26 =	vld.idx.msk [tilespmem:v56+s11+$0x0], $0xffff;
	[tilespmem:v49+s12+$0x0] =	vst.idx.msk $0xffff, v48  }
0xbb: {  	s20 =	sor.u32 s21, s31;
	s21 =	sld [smem:$0x7F5];
	v37 =	vor.u32 $0x19, v3;
	s17 =	sor.u32 s26, s31;
	v33 =	vor.u32 s16, v0;
	v32 =	vld.idx.msk [tilespmem:v62+s11+$0x0], $0xffff;
	[tilespmem:v52+s12+$0x0] =	vst.idx.msk $0xffff, v51  }
0xbc: {  	s22 =	sld [smem:$0x7F6];
	s18 =	sor.u32 s28, s31;
	v59 =	vor.u32 $0x12, v3;
	v36 =	vor.u32 s17, v0;
	v35 =	vld.idx.msk [tilespmem:v22+s11+$0x0], $0xffff;
	[tilespmem:v55+s12+$0x0] =	vst.idx.msk $0xffff, v54  }
0xbd: {  	v39 =	vor.u32 s18, v0;
	v40 =	vor.u32 $0x1A, v3;
	v38 =	vld.idx.msk [tilespmem:v25+s11+$0x0], $0xffff;
	[tilespmem:v58+s12+$0x0] =	vst.idx.msk $0xffff, v57  }
0xbe: {  	s19 =	sor.u32 s15, s31;
	s0 =	sor.u32 s21, s31;
	v34 =	vor.u32 $0x18, v3;
	v44 =	vld.idx.msk [tilespmem:v31+s11+$0x0], $0xffff;
	v45 =	vor.u32 s20, v0;
	[tilespmem:v24+s12+$0x0] =	vst.idx.msk $0xffff, v23  }
0xbf: {  	v42 =	vor.u32 s19, v0;
	v43 =	vor.u32 $0x1B, v3;
	v41 =	vld.idx.msk [tilespmem:v28+s11+$0x0], $0xffff;
	v48 =	vor.u32 s0, v0;
	s0 =	sor.u32 s22, s31;
	[tilespmem:v27+s12+$0x0] =	vst.idx.msk $0xffff, v26  }
0xc0: {  	s14 =	sor.u32 s24, s31;
	v46 =	vor.u32 $0x1C, v3;
	v50 =	vld.idx.msk [tilespmem:v37+s11+$0x0], $0xffff;
	v51 =	vor.u32 s0, v0;
	[tilespmem:v33+s12+$0x0] =	vst.idx.msk $0xffff, v32  }
0xc1: {  	s23 =	sor.u32 s10, s31;
	v30 =	vor.u32 s14, v0;
	v49 =	vor.u32 $0x1D, v3;
	v29 =	vld.idx.msk [tilespmem:v59+s11+$0x0], $0xffff;
	[tilespmem:v36+s12+$0x0] =	vst.idx.msk $0xffff, v35  }
0xc2: {  	v52 =	vor.u32 $0x1E, v3;
	v53 =	vld.idx.msk [tilespmem:v40+s11+$0x0], $0xffff;
	v54 =	vor.u32 s23, v0;
	[tilespmem:v39+s12+$0x0] =	vst.idx.msk $0xffff, v38  }
0xc3: {  	s24 =	sor.u32 s8, s31;
	v3 =	vor.u32 $0x1F, v3;
	v47 =	vld.idx.msk [tilespmem:v34+s11+$0x0], $0xffff;
	[tilespmem:v45+s12+$0x0] =	vst.idx.msk $0xffff, v44  }
0xc4: {  	s25 =	sor.u32 s5, s31;
	v56 =	vor.u32 s24, v0;
	v55 =	vld.idx.msk [tilespmem:v43+s11+$0x0], $0xffff;
	[tilespmem:v42+s12+$0x0] =	vst.idx.msk $0xffff, v41  }
0xc5: {  	s26 =	sor.u32 s4, s31;
	v58 =	vor.u32 s25, v0;
	v57 =	vld.idx.msk [tilespmem:v46+s11+$0x0], $0xffff;
	[tilespmem:v51+s12+$0x0] =	vst.idx.msk $0xffff, v50  }
0xc6: {  	s28 =	sor.u32 s2, s31;
	v60 =	vor.u32 s26, v0;
	v59 =	vld.idx.msk [tilespmem:v49+s11+$0x0], $0xffff;
	[tilespmem:v30+s12+$0x0] =	vst.idx.msk $0xffff, v29  }
0xc7: {  	s29 =	sadd.s32 $0x40, s29;
	v61 =	vor.u32 s28, v0;
	s31 =	sor.u32 s1, s31;
	v62 =	vld.idx.msk [tilespmem:v52+s11+$0x0], $0xffff;
	[tilespmem:v54+s12+$0x0] =	vst.idx.msk $0xffff, v53  }
0xc8: {  	p1 =	slt.u32 s29, $0x3C0;
	v63 =	vor.u32 s31, v0;
	v3 =	vld.idx.msk [tilespmem:v3+s11+$0x0], $0xffff;
	[tilespmem:v48+s12+$0x0] =	vst.idx.msk $0xffff, v47  }
.Ltmp10:
0xc9: {  	[tilespmem:v56+s12+$0x0] =	vst.idx.msk $0xffff, v55;
	(pc) =	sbr.rel @p1 .LBB2_17-.Ltmp10, $4  }
0xca: {  	[tilespmem:v58+s12+$0x0] =	vst.idx.msk $0xffff, v57  }
0xcb: {  	[tilespmem:v60+s12+$0x0] =	vst.idx.msk $0xffff, v59  }
0xcc: {  	[tilespmem:v61+s12+$0x0] =	vst.idx.msk $0xffff, v62  }
0xcd: {  	s30 =	sadd.s32 $0x20, s30;
	[tilespmem:v63+s12+$0x0] =	vst.idx.msk $0xffff, v3  }
0xce: {  	s0 =	rddreg [dreg:$0xb]  }
0xcf: {  	s1 =	rddreg [dreg:$0x6]  }
0xd0: {  	s29 =	rddreg [dreg:$0xc];
	s0 =	sshll.u32 s0, $0x13  }
0xd1: {  	s30 =	rddreg [dreg:$0x5];
	p1 =	sne.s32 s29, $0x0;
	s0 =	sor.u32 s1, s0  }
0xd2: {  	s31 =	rddreg [dreg:$0xa];
	s1 =	simm.s32 @p1 $0x200;
	s0 =	sshrl.u32 s0, $0x3  }
0xd3: {  	s3 =	simm.s32 @p1 $0x4000;
	s4 =	simm.s32 @p1 $0x12800;
	s0 =	sadd.s32 s30, s0  }
0xd4: {  	[hbm4b:s0+s1] =	stream.strided.scatter @p1 [tilespmem:s4], [sflag:$0x4], $0x4000, s3, s1, $0x38;
	[tilespmem:$0x16800] =	vst v63  }
0xd5: {  	s1 =	simm.s32 @!p1 $0x200;
	s3 =	simm.s32 @!p1 $0x4000;
	s4 =	simm.s32 @!p1 $0xE800  }
0xd6: {  	[hbm4b:s0+s1] =	stream.strided.scatter @!p1 [tilespmem:s4], [sflag:$0x3], $0x4000, s3, s1, $0x38;
	[tilespmem:$0x16800] =	vst v63  }
0xd7: {  	p1 =	sne.s32 s31, $0x32  }
.Ltmp11:
0xd8: {  	_ = 	snop;
	(pc) =	sbr.rel @p1 .LBB2_4-.Ltmp11, $2  }
0xd9: {  	_ =	sdelay $0x2  }
0xda: {  	p0 =	por !p0, !p0;
	s8 =	simm.s32 $0x6400;
	s5 =	smov.u32 s31  }
0xdb: {  	s0 =	simm.s32 $0x3  }
0xdc: {  	_ =	swait.ge [sflag:s0], $0x4000  }
0xdd: {  	[sflag:s0] =	ssyncset.done $0x0  }
0xde: {  	s1 =	simm.s32 $0x4;
	[sflag:s0] =	ssyncadd.s32 $0xFFFFC000  }
0xdf: {  	_ =	swait.ge [sflag:s1], $0x4000  }
0xe0: {  	s3 =	rddreg [dreg:$0x9]  }
0xe1: {  	s31 =	rddreg [dreg:$0x8];
	s3 =	sadd.s32 $0x1, s3  }
0xe2: {  	p0 =	sne.s32 s3, s31  }
.Ltmp12:
0xe3: {  	_ = 	snop;
	(pc) =	sbr.rel @p0 .LBB2_1-.Ltmp12, $3  }
0xe4: {  	_ =	sdelay $0x1  }
0xe5: {  	[sflag:s1] =	ssyncset.done $0x0  }
0xe6: {  	[sflag:s1] =	ssyncadd.s32 $0xFFFFC000;
	[dreg:$0x9] =	wrdreg s3  }
0xe7: {  	_ =	sfence.sel $0x180000  }
0xe8: {  	[bflag:$0x0] =	sbarrier.arrive $0xFFFF  }
0xe9: {  	_ =	strace $0x90000047  }
0xea: {  	s0 =	stileid.u32;
	[bflag:$0x2] =	sbarrier.arrive $0xFFFF  }
0xeb: {  	p0 =	sne.s32 s0, $0x0;
	s0 =	rddreg [dreg:$0x2]  }
0xec: {  	s0 =	sadd.s32 @!p0 $0x100000, s0  }
0xed: {  	[sflag:s0] =	ssyncadd.tile.s32 @!p0 $0x1;
	_ =	shalt  }
.Lfunc_end2:
_tile_overlayer_lowered:
.L_overlay_start_2:
0xee: {  	(tag) =	ssettag $0x2  }
0xef: {  	s0 =	rddreg [dreg:$0x0];
	s2 =	stileid.u32  }
0xf0: {  	s1 =	rddreg [dreg:$0x1];
	p0 =	sne.s32 s2, $0x0  }
0xf1: {  	s3 =	rddreg [dreg:$0x2];
	[bflag:$0x3] =	sbarrier.arrive $0xFFFF;
	s2 =	simm.s32 @!p0 $0x1C05  }
0xf2: {  	[timem:s3], [sflag:s2] =	dma.local @!p0 [hbm:s0], s1  }
0xf3: {  	s0 =	simm.s32 @!p0 $0x5  }
0xf4: {  	_ =	swait.ge @!p0 [sflag:s0], s1  }
0xf5: {  	s1 =	ssub.s32 @!p0 $0x0, s1;
	[sflag:s0] =	ssyncset.done @!p0 $0x0  }
0xf6: {  	[sflag:s0] =	ssyncadd.s32 @!p0 s1  }
0xf7: {  	[bflag:$0x3] =	sbarrier.arrive $0xFFFF  }
0xf8: {  	_ =	shalt  }

</sc_bundles>
